<compile_context>
chip_gen: v7x
topology: tpu7x:2x2x1
jax: 0.10.2.dev20260603
libtpu: 0.0.44.dev20260713+nightly
codegen_flags: <defaults>
</compile_context>

<pallas_src>
import functools
import jax
import jax.numpy as jnp
from jax import lax
from jax.experimental import pallas as pl
from jax.experimental.pallas import tpu as pltpu
from jax.experimental.pallas import tpu_sc as plsc

DIM = 1024
SCALE = 32.0
LANES = 16
NC, NS = 2, 16
NW = NC * NS
SEQ = 4096
BATCH = 4
TOT = SEQ * BATCH
RPW = TOT // NW
CH = 16
NCHUNK = RPW // CH
NSLOT = 4
NOB = 2
NGRP = NCHUNK // NSLOT
SPC = CH // BATCH
EPR = DIM // LANES


def _sc_embed(idx, W, pe3d):
    mesh = plsc.VectorSubcoreMesh(core_axis_name="c", subcore_axis_name="s")

    @functools.partial(
        pl.kernel,
        mesh=mesh,
        out_type=jax.ShapeDtypeStruct((SEQ, BATCH, DIM), jnp.float32),
        scratch_types=[
            pltpu.VMEM((RPW,), jnp.int32),
            pltpu.VMEM((CH, DIM), jnp.float32),
            pltpu.VMEM((CH, DIM), jnp.float32),
            pltpu.VMEM((CH, DIM), jnp.float32),
            pltpu.VMEM((CH, DIM), jnp.float32),
            pltpu.VMEM((SPC, BATCH, DIM), jnp.float32),
            pltpu.VMEM((SPC, BATCH, DIM), jnp.float32),
            pltpu.VMEM((SPC, 1, DIM), jnp.float32),
            pltpu.VMEM((SPC, 1, DIM), jnp.float32),
            pltpu.VMEM((SPC, 1, DIM), jnp.float32),
            pltpu.VMEM((SPC, 1, DIM), jnp.float32),
            pltpu.SemaphoreType.DMA,
            pltpu.SemaphoreType.DMA,
            pltpu.SemaphoreType.DMA,
            pltpu.SemaphoreType.DMA,
            pltpu.SemaphoreType.DMA,
            pltpu.SemaphoreType.DMA,
            pltpu.SemaphoreType.DMA,
            pltpu.SemaphoreType.DMA,
            pltpu.SemaphoreType.DMA,
            pltpu.SemaphoreType.DMA,
        ],
    )
    def k(idx_hbm, w_hbm, pe_hbm, out_hbm,
          idx_v, b0, b1, b2, b3, ob0, ob1, pp0, pp1, pp2, pp3,
          g0, g1, g2, g3, p0, p1, p2, p3, s0, s1):
        wid = lax.axis_index("s") * NC + lax.axis_index("c")
        base = wid * RPW
        sbase = base // BATCH
        pltpu.sync_copy(idx_hbm.at[pl.ds(base, RPW)], idx_v)

        bufs = (b0, b1, b2, b3)
        obufs = (ob0, ob1)
        peps = (pp0, pp1, pp2, pp3)
        gsems = (g0, g1, g2, g3)
        psems = (p0, p1, p2, p3)
        ssems = (s0, s1)

        def start_gather(c, slot):
            pltpu.async_copy(
                w_hbm.at[idx_v.at[pl.ds(c * CH, CH)]], bufs[slot], gsems[slot]
            )
            pltpu.async_copy(
                pe_hbm.at[pl.ds(sbase + c * SPC, SPC)], peps[slot], psems[slot]
            )

        def wait_gather(c, slot):
            pltpu.make_async_copy(
                w_hbm.at[idx_v.at[pl.ds(c * CH, CH)]], bufs[slot], gsems[slot]
            ).wait()
            pltpu.make_async_copy(
                pe_hbm.at[pl.ds(sbase + c * SPC, SPC)], peps[slot], psems[slot]
            ).wait()

        def start_scatter(c, ob):
            pltpu.async_copy(
                obufs[ob], out_hbm.at[pl.ds(sbase + c * SPC, SPC)], ssems[ob]
            )

        def wait_scatter(c, ob):
            pltpu.make_async_copy(
                obufs[ob], out_hbm.at[pl.ds(sbase + c * SPC, SPC)], ssems[ob]
            ).wait()

        def compute(slot, ob):
            buf = bufs[slot]
            obuf = obufs[ob]
            pep = peps[slot]

            @plsc.parallel_loop(0, CH * EPR, step=1, unroll=8)
            def _(i):
                r = i >> 6
                col = (i & (EPR - 1)) * LANES
                obuf[i >> 8, (i >> 6) & 3, pl.ds(col, LANES)] = (
                    buf[r, pl.ds(col, LANES)] * SCALE
                    + pep[i >> 8, 0, pl.ds(col, LANES)]
                )

        for slot in range(NSLOT):
            start_gather(slot, slot)

        def grp_body(g, carry):
            c0 = g * NSLOT
            for slot in range(NSLOT):
                c = c0 + slot
                ob = slot % NOB
                wait_gather(c, slot)

                if slot >= NOB:
                    wait_scatter(c - NOB, ob)
                else:

                    @pl.when(g > 0)
                    def _():
                        wait_scatter(c - NOB, ob)

                compute(slot, ob)
                start_scatter(c, ob)

                @pl.when(g < NGRP - 1)
                def _():
                    start_gather(c + NSLOT, slot)

            return carry

        lax.fori_loop(0, NGRP, grp_body, 0)
        wait_scatter(NCHUNK - 2, 0)
        wait_scatter(NCHUNK - 1, 1)

    return k(idx, W, pe3d)


def kernel(input, W, pe):
    idx = input.reshape(-1)
    return _sc_embed(idx, W, pe)

# --- scband reference (transcript-rebuilt; emitter-appended) ---
"""Pipeline reference for scband-embeddings-61976378081442 (READ-ONLY COPY).

The authoritative reference and input builder live on the scoring server;
editing this copy changes nothing except your own understanding.
"""

import jax, jax.numpy as jnp
import numpy as np
import math

VOCAB = 100000
DIM = 1024
MAX_LEN = 5000
PAD_IDX = 0


def make_pe(dim, max_len=5000):
    position = np.arange(0, max_len).astype(np.float64)[:, None]
    div_term = np.exp(np.arange(0, dim, 2).astype(np.float64) * -(math.log(10000.0) / dim))
    pe = np.zeros((max_len, dim), dtype=np.float32)
    pe[:, 0::2] = np.sin(position * div_term).astype(np.float32)
    pe[:, 1::2] = np.cos(position * div_term).astype(np.float32)
    pe = np.concatenate([pe, np.zeros((1, dim), dtype=np.float32)], axis=0)
    # unsqueeze(1): shape (max_len+1, 1, dim)
    return jnp.asarray(pe[:, None, :])


def setup_inputs(seed: int = 0) -> dict:
    key = jax.random.key(seed)
    k_idx, k_w = jax.random.split(key)
    inp = jax.random.randint(k_idx, (4096, 4, 1), 0, VOCAB, dtype=jnp.int32)
    W = jax.random.normal(k_w, (VOCAB, DIM), dtype=jnp.float32)
    W = W.at[PAD_IDX].set(0.0)  # padding_idx row zeroed, as nn.Embedding does
    pe = make_pe(DIM, MAX_LEN)
    return {"input": inp, "W": W, "pe": pe}


def reference(input, W, pe):
    dim = W.shape[1]
    idx = jnp.squeeze(input, axis=-1)  # (S, B)
    Wz = W.at[PAD_IDX].set(0.0)
    emb = jnp.take(Wz, idx, axis=0)  # (S, B, dim)
    emb = emb * math.sqrt(dim)
    emb = emb + pe[: emb.shape[0]]  # broadcast (S, 1, dim)
    # dropout p=0.0 -> identity
    return emb

if __name__ == "__main__":
    import jax
    _d = setup_inputs()
    print(jax.jit(kernel)(*tuple(_d.values())))

</pallas_src>

<mosaic_0001>
#map = affine_map<(d0, d1) -> (0)>
#map1 = affine_map<(d0, d1) -> (0, 0)>
#map2 = affine_map<(d0, d1) -> (0, 0, 0)>
module attributes {stable_mosaic.version = 14 : i64} {
  func.func @k(%arg0: i32, %arg1: i32, %arg2: memref<16384xi32, #tpu.memory_space<hbm>>, %arg3: memref<100000x1024xf32, #tpu.memory_space<hbm>>, %arg4: memref<5001x1x1024xf32, #tpu.memory_space<hbm>>, %arg5: memref<4096x4x1024xf32, #tpu.memory_space<hbm>>, %arg6: memref<512xi32, #tpu.memory_space<vmem>>, %arg7: memref<16x1024xf32, #tpu.memory_space<vmem>>, %arg8: memref<16x1024xf32, #tpu.memory_space<vmem>>, %arg9: memref<16x1024xf32, #tpu.memory_space<vmem>>, %arg10: memref<16x1024xf32, #tpu.memory_space<vmem>>, %arg11: memref<4x4x1024xf32, #tpu.memory_space<vmem>>, %arg12: memref<4x4x1024xf32, #tpu.memory_space<vmem>>, %arg13: memref<4x1x1024xf32, #tpu.memory_space<vmem>>, %arg14: memref<4x1x1024xf32, #tpu.memory_space<vmem>>, %arg15: memref<4x1x1024xf32, #tpu.memory_space<vmem>>, %arg16: memref<4x1x1024xf32, #tpu.memory_space<vmem>>, %arg17: memref<!tpu.dma_semaphore, #tpu.memory_space<semaphore_mem>>, %arg18: memref<!tpu.dma_semaphore, #tpu.memory_space<semaphore_mem>>, %arg19: memref<!tpu.dma_semaphore, #tpu.memory_space<semaphore_mem>>, %arg20: memref<!tpu.dma_semaphore, #tpu.memory_space<semaphore_mem>>, %arg21: memref<!tpu.dma_semaphore, #tpu.memory_space<semaphore_mem>>, %arg22: memref<!tpu.dma_semaphore, #tpu.memory_space<semaphore_mem>>, %arg23: memref<!tpu.dma_semaphore, #tpu.memory_space<semaphore_mem>>, %arg24: memref<!tpu.dma_semaphore, #tpu.memory_space<semaphore_mem>>, %arg25: memref<!tpu.dma_semaphore, #tpu.memory_space<semaphore_mem>>, %arg26: memref<!tpu.dma_semaphore, #tpu.memory_space<semaphore_mem>>) attributes {dimension_semantics = [#tpu.dimension_semantics<core_parallel>, #tpu.dimension_semantics<subcore_parallel>], iteration_bounds = array<i64: 2, 16>, scalar_prefetch = 0 : i64, scratch_operands = 21 : i64, tpu.core_type = #tpu.core_type<sc_vector_subcore>, window_params = [{transform_indices = #map}, {transform_indices = #map1}, {transform_indices = #map2}, {transform_indices = #map2}]} {
    %mul3A = arith.constant 2 : i32
    %mul3A_0 = arith.muli %arg1, %mul3A : i32
    %add3A = arith.addi %mul3A_0, %arg0 : i32
    %mul3A_1 = arith.constant 512 : i32
    %mul3A_2 = arith.muli %add3A, %mul3A_1 : i32
    %jit3A = arith.constant 4 : i32
    %div3A = arith.divsi %mul3A_2, %jit3A : i32
    %sign3A = arith.constant 0 : i32
    %sign3A_3 = arith.cmpi sgt, %mul3A_2, %sign3A : i32
    %sign3A_4 = arith.extui %sign3A_3 : i1 to i32
    %sign3A_5 = arith.constant 0 : i32
    %sign3A_6 = arith.cmpi slt, %mul3A_2, %sign3A_5 : i32
    %sign3A_7 = arith.extui %sign3A_6 : i1 to i32
    %sign3A_8 = arith.subi %sign3A_4, %sign3A_7 : i32
    %sign3A_9 = arith.constant 0 : i32
    %sign3A_10 = arith.cmpi sgt, %jit3A, %sign3A_9 : i32
    %sign3A_11 = arith.extui %sign3A_10 : i1 to i32
    %sign3A_12 = arith.constant 0 : i32
    %sign3A_13 = arith.cmpi slt, %jit3A, %sign3A_12 : i32
    %sign3A_14 = arith.extui %sign3A_13 : i1 to i32
    %sign3A_15 = arith.subi %sign3A_11, %sign3A_14 : i32
    %ne3A = arith.cmpi ne, %sign3A_8, %sign3A_15 : i32
    %rem3A = arith.remsi %mul3A_2, %jit3A : i32
    %ne3A_16 = arith.constant 0 : i32
    %ne3A_17 = arith.cmpi ne, %rem3A, %ne3A_16 : i32
    %and3A = arith.andi %ne3A, %ne3A_17 : i1
    %sub3A = arith.constant 1 : i32
    %sub3A_18 = arith.subi %div3A, %sub3A : i32
    %select_n3A = arith.select %and3A, %sub3A_18, %div3A : i32
    "tpu.region"() ({
      %run_scoped3A = tpu.sem_alloc : memref<!tpu.dma_semaphore, #tpu.memory_space<semaphore_mem>>
      %dma_start3A_90 = tpu.memref_slice %arg2[%mul3A_2] : memref<16384xi32, #tpu.memory_space<hbm>> -> memref<512xi32, #tpu.memory_space<hbm>>
      %dma_start3A_91 = tpu.memref_slice %arg2[%mul3A_2] : memref<16384xi32, #tpu.memory_space<hbm>> -> memref<512xi32, #tpu.memory_space<hbm>>
      tpu.enqueue_dma source(%dma_start3A_91 : memref<512xi32, #tpu.memory_space<hbm>>) target(%arg6 : memref<512xi32, #tpu.memory_space<vmem>>) target_semaphore(%run_scoped3A : memref<!tpu.dma_semaphore, #tpu.memory_space<semaphore_mem>>)
      %dma_wait3A_92 = tpu.memref_slice %arg2[%mul3A_2] : memref<16384xi32, #tpu.memory_space<hbm>> -> memref<512xi32, #tpu.memory_space<hbm>>
      %dma_wait3A_93 = tpu.memref_slice %arg2[%mul3A_2] : memref<16384xi32, #tpu.memory_space<hbm>> -> memref<512xi32, #tpu.memory_space<hbm>>
      tpu.wait_dma2 semaphore(%run_scoped3A : memref<!tpu.dma_semaphore, #tpu.memory_space<semaphore_mem>>) src(%dma_wait3A_93 : memref<512xi32, #tpu.memory_space<hbm>>) dst(%arg6 : memref<512xi32, #tpu.memory_space<vmem>>)
      tpu.yield
    }) : () -> ()
    %dma_start3A = arith.constant 0 : i32
    %dma_start3A_19 = tpu.memref_slice %arg6[%dma_start3A] : memref<512xi32, #tpu.memory_space<vmem>> -> memref<16xi32, #tpu.memory_space<vmem>>
    %dma_start3A_20 = arith.constant 0 : i32
    %dma_start3A_21 = arith.constant 0 : i32
    %dma_start3A_22 = tpu.memref_slice %arg3[%dma_start3A_20, %dma_start3A_21] : memref<100000x1024xf32, #tpu.memory_space<hbm>> -> memref<100000x1024xf32, #tpu.memory_space<hbm>>
    tpu.enqueue_indirect_dma source(%dma_start3A_22 : memref<100000x1024xf32, #tpu.memory_space<hbm>>) target(%arg7 : memref<16x1024xf32, #tpu.memory_space<vmem>>) offsets(%dma_start3A_19 : memref<16xi32, #tpu.memory_space<vmem>>) semaphore(%arg17 : memref<!tpu.dma_semaphore, #tpu.memory_space<semaphore_mem>>)
    %add3A_23 = arith.constant 0 : i32
    %add3A_24 = arith.addi %select_n3A, %add3A_23 : i32
    %dma_start3A_25 = arith.constant 0 : i32
    %dma_start3A_26 = arith.constant 0 : i32
    %dma_start3A_27 = tpu.memref_slice %arg4[%add3A_24, %dma_start3A_25, %dma_start3A_26] : memref<5001x1x1024xf32, #tpu.memory_space<hbm>> -> memref<4x1x1024xf32, #tpu.memory_space<hbm>>
    %dma_start3A_28 = arith.constant 0 : i32
    %dma_start3A_29 = arith.constant 0 : i32
    %dma_start3A_30 = tpu.memref_slice %arg4[%add3A_24, %dma_start3A_28, %dma_start3A_29] : memref<5001x1x1024xf32, #tpu.memory_space<hbm>> -> memref<4x1x1024xf32, #tpu.memory_space<hbm>>
    tpu.enqueue_dma source(%dma_start3A_30 : memref<4x1x1024xf32, #tpu.memory_space<hbm>>) target(%arg13 : memref<4x1x1024xf32, #tpu.memory_space<vmem>>) target_semaphore(%arg21 : memref<!tpu.dma_semaphore, #tpu.memory_space<semaphore_mem>>)
    %dma_start3A_31 = arith.constant 16 : i32
    %dma_start3A_32 = tpu.memref_slice %arg6[%dma_start3A_31] : memref<512xi32, #tpu.memory_space<vmem>> -> memref<16xi32, #tpu.memory_space<vmem>>
    %dma_start3A_33 = arith.constant 0 : i32
    %dma_start3A_34 = arith.constant 0 : i32
    %dma_start3A_35 = tpu.memref_slice %arg3[%dma_start3A_33, %dma_start3A_34] : memref<100000x1024xf32, #tpu.memory_space<hbm>> -> memref<100000x1024xf32, #tpu.memory_space<hbm>>
    tpu.enqueue_indirect_dma source(%dma_start3A_35 : memref<100000x1024xf32, #tpu.memory_space<hbm>>) target(%arg8 : memref<16x1024xf32, #tpu.memory_space<vmem>>) offsets(%dma_start3A_32 : memref<16xi32, #tpu.memory_space<vmem>>) semaphore(%arg18 : memref<!tpu.dma_semaphore, #tpu.memory_space<semaphore_mem>>)
    %add3A_36 = arith.constant 4 : i32
    %add3A_37 = arith.addi %select_n3A, %add3A_36 : i32
    %dma_start3A_38 = arith.constant 0 : i32
    %dma_start3A_39 = arith.constant 0 : i32
    %dma_start3A_40 = tpu.memref_slice %arg4[%add3A_37, %dma_start3A_38, %dma_start3A_39] : memref<5001x1x1024xf32, #tpu.memory_space<hbm>> -> memref<4x1x1024xf32, #tpu.memory_space<hbm>>
    %dma_start3A_41 = arith.constant 0 : i32
    %dma_start3A_42 = arith.constant 0 : i32
    %dma_start3A_43 = tpu.memref_slice %arg4[%add3A_37, %dma_start3A_41, %dma_start3A_42] : memref<5001x1x1024xf32, #tpu.memory_space<hbm>> -> memref<4x1x1024xf32, #tpu.memory_space<hbm>>
    tpu.enqueue_dma source(%dma_start3A_43 : memref<4x1x1024xf32, #tpu.memory_space<hbm>>) target(%arg14 : memref<4x1x1024xf32, #tpu.memory_space<vmem>>) target_semaphore(%arg22 : memref<!tpu.dma_semaphore, #tpu.memory_space<semaphore_mem>>)
    %dma_start3A_44 = arith.constant 32 : i32
    %dma_start3A_45 = tpu.memref_slice %arg6[%dma_start3A_44] : memref<512xi32, #tpu.memory_space<vmem>> -> memref<16xi32, #tpu.memory_space<vmem>>
    %dma_start3A_46 = arith.constant 0 : i32
    %dma_start3A_47 = arith.constant 0 : i32
    %dma_start3A_48 = tpu.memref_slice %arg3[%dma_start3A_46, %dma_start3A_47] : memref<100000x1024xf32, #tpu.memory_space<hbm>> -> memref<100000x1024xf32, #tpu.memory_space<hbm>>
    tpu.enqueue_indirect_dma source(%dma_start3A_48 : memref<100000x1024xf32, #tpu.memory_space<hbm>>) target(%arg9 : memref<16x1024xf32, #tpu.memory_space<vmem>>) offsets(%dma_start3A_45 : memref<16xi32, #tpu.memory_space<vmem>>) semaphore(%arg19 : memref<!tpu.dma_semaphore, #tpu.memory_space<semaphore_mem>>)
    %add3A_49 = arith.constant 8 : i32
    %add3A_50 = arith.addi %select_n3A, %add3A_49 : i32
    %dma_start3A_51 = arith.constant 0 : i32
    %dma_start3A_52 = arith.constant 0 : i32
    %dma_start3A_53 = tpu.memref_slice %arg4[%add3A_50, %dma_start3A_51, %dma_start3A_52] : memref<5001x1x1024xf32, #tpu.memory_space<hbm>> -> memref<4x1x1024xf32, #tpu.memory_space<hbm>>
    %dma_start3A_54 = arith.constant 0 : i32
    %dma_start3A_55 = arith.constant 0 : i32
    %dma_start3A_56 = tpu.memref_slice %arg4[%add3A_50, %dma_start3A_54, %dma_start3A_55] : memref<5001x1x1024xf32, #tpu.memory_space<hbm>> -> memref<4x1x1024xf32, #tpu.memory_space<hbm>>
    tpu.enqueue_dma source(%dma_start3A_56 : memref<4x1x1024xf32, #tpu.memory_space<hbm>>) target(%arg15 : memref<4x1x1024xf32, #tpu.memory_space<vmem>>) target_semaphore(%arg23 : memref<!tpu.dma_semaphore, #tpu.memory_space<semaphore_mem>>)
    %dma_start3A_57 = arith.constant 48 : i32
    %dma_start3A_58 = tpu.memref_slice %arg6[%dma_start3A_57] : memref<512xi32, #tpu.memory_space<vmem>> -> memref<16xi32, #tpu.memory_space<vmem>>
    %dma_start3A_59 = arith.constant 0 : i32
    %dma_start3A_60 = arith.constant 0 : i32
    %dma_start3A_61 = tpu.memref_slice %arg3[%dma_start3A_59, %dma_start3A_60] : memref<100000x1024xf32, #tpu.memory_space<hbm>> -> memref<100000x1024xf32, #tpu.memory_space<hbm>>
    tpu.enqueue_indirect_dma source(%dma_start3A_61 : memref<100000x1024xf32, #tpu.memory_space<hbm>>) target(%arg10 : memref<16x1024xf32, #tpu.memory_space<vmem>>) offsets(%dma_start3A_58 : memref<16xi32, #tpu.memory_space<vmem>>) semaphore(%arg20 : memref<!tpu.dma_semaphore, #tpu.memory_space<semaphore_mem>>)
    %add3A_62 = arith.constant 12 : i32
    %add3A_63 = arith.addi %select_n3A, %add3A_62 : i32
    %dma_start3A_64 = arith.constant 0 : i32
    %dma_start3A_65 = arith.constant 0 : i32
    %dma_start3A_66 = tpu.memref_slice %arg4[%add3A_63, %dma_start3A_64, %dma_start3A_65] : memref<5001x1x1024xf32, #tpu.memory_space<hbm>> -> memref<4x1x1024xf32, #tpu.memory_space<hbm>>
    %dma_start3A_67 = arith.constant 0 : i32
    %dma_start3A_68 = arith.constant 0 : i32
    %dma_start3A_69 = tpu.memref_slice %arg4[%add3A_63, %dma_start3A_67, %dma_start3A_68] : memref<5001x1x1024xf32, #tpu.memory_space<hbm>> -> memref<4x1x1024xf32, #tpu.memory_space<hbm>>
    tpu.enqueue_dma source(%dma_start3A_69 : memref<4x1x1024xf32, #tpu.memory_space<hbm>>) target(%arg16 : memref<4x1x1024xf32, #tpu.memory_space<vmem>>) target_semaphore(%arg24 : memref<!tpu.dma_semaphore, #tpu.memory_space<semaphore_mem>>)
    %scan3A = arith.constant 0 : i32
    %scan3A_70 = arith.constant 0 : i32
    %scan3A_71 = arith.constant 8 : i32
    %scan3A_72 = arith.addi %scan3A_70, %scan3A_71 : i32
    %scan3A_73 = arith.constant 1 : i32
    scf.for %scan3A_90 = %scan3A_70 to %scan3A_72 step %scan3A_73  : i32 {
      %mul3A_91 = arith.constant 4 : i32
      %mul3A_92 = arith.muli %scan3A_90, %mul3A_91 : i32
      %add3A_93 = arith.constant 0 : i32
      %add3A_94 = arith.addi %mul3A_92, %add3A_93 : i32
      %mul3A_95 = arith.constant 16 : i32
      %mul3A_96 = arith.muli %add3A_94, %mul3A_95 : i32
      %dma_wait3A_97 = tpu.memref_slice %arg6[%mul3A_96] : memref<512xi32, #tpu.memory_space<vmem>> -> memref<16xi32, #tpu.memory_space<vmem>>
      %dma_wait3A_98 = arith.constant 0 : i32
      %dma_wait3A_99 = arith.constant 0 : i32
      %dma_wait3A_100 = tpu.memref_slice %arg3[%dma_wait3A_98, %dma_wait3A_99] : memref<100000x1024xf32, #tpu.memory_space<hbm>> -> memref<100000x1024xf32, #tpu.memory_space<hbm>>
      tpu.wait_indirect_dma semaphore(%arg17 : memref<!tpu.dma_semaphore, #tpu.memory_space<semaphore_mem>>) src(%dma_wait3A_100 : memref<100000x1024xf32, #tpu.memory_space<hbm>>) dst(%arg7 : memref<16x1024xf32, #tpu.memory_space<vmem>>)
      %mul3A_101 = arith.constant 4 : i32
      %mul3A_102 = arith.muli %add3A_94, %mul3A_101 : i32
      %add3A_103 = arith.addi %select_n3A, %mul3A_102 : i32
      %dma_wait3A_104 = arith.constant 0 : i32
      %dma_wait3A_105 = arith.constant 0 : i32
      %dma_wait3A_106 = tpu.memref_slice %arg4[%add3A_103, %dma_wait3A_104, %dma_wait3A_105] : memref<5001x1x1024xf32, #tpu.memory_space<hbm>> -> memref<4x1x1024xf32, #tpu.memory_space<hbm>>
      %dma_wait3A_107 = arith.constant 0 : i32
      %dma_wait3A_108 = arith.constant 0 : i32
      %dma_wait3A_109 = tpu.memref_slice %arg4[%add3A_103, %dma_wait3A_107, %dma_wait3A_108] : memref<5001x1x1024xf32, #tpu.memory_space<hbm>> -> memref<4x1x1024xf32, #tpu.memory_space<hbm>>
      tpu.wait_dma2 semaphore(%arg21 : memref<!tpu.dma_semaphore, #tpu.memory_space<semaphore_mem>>) src(%dma_wait3A_109 : memref<4x1x1024xf32, #tpu.memory_space<hbm>>) dst(%arg13 : memref<4x1x1024xf32, #tpu.memory_space<vmem>>)
      %gt3A = arith.constant 0 : i32
      %gt3A_110 = arith.cmpi sgt, %scan3A_90, %gt3A : i32
      %convert_element_type3A = arith.extui %gt3A_110 : i1 to i32
      %cond3A = arith.constant 0 : i32
      %cond3A_111 = arith.cmpi ne, %convert_element_type3A, %cond3A : i32
      scf.if %cond3A_111 {
        %sub3A_256 = arith.constant 2 : i32
        %sub3A_257 = arith.subi %add3A_94, %sub3A_256 : i32
        %mul3A_258 = arith.constant 4 : i32
        %mul3A_259 = arith.muli %sub3A_257, %mul3A_258 : i32
        %add3A_260 = arith.addi %select_n3A, %mul3A_259 : i32
        %dma_wait3A_261 = arith.constant 0 : i32
        %dma_wait3A_262 = arith.constant 0 : i32
        %dma_wait3A_263 = tpu.memref_slice %arg5[%add3A_260, %dma_wait3A_261, %dma_wait3A_262] : memref<4096x4x1024xf32, #tpu.memory_space<hbm>> -> memref<4x4x1024xf32, #tpu.memory_space<hbm>>
        %dma_wait3A_264 = arith.constant 0 : i32
        %dma_wait3A_265 = arith.constant 0 : i32
        %dma_wait3A_266 = tpu.memref_slice %arg5[%add3A_260, %dma_wait3A_264, %dma_wait3A_265] : memref<4096x4x1024xf32, #tpu.memory_space<hbm>> -> memref<4x4x1024xf32, #tpu.memory_space<hbm>>
        tpu.wait_dma2 semaphore(%arg25 : memref<!tpu.dma_semaphore, #tpu.memory_space<semaphore_mem>>) src(%arg11 : memref<4x4x1024xf32, #tpu.memory_space<vmem>>) dst(%dma_wait3A_266 : memref<4x4x1024xf32, #tpu.memory_space<hbm>>)
      } else {
      }
      %parallel_loop3A = arith.constant 0 : i32
      %parallel_loop3A_112 = arith.constant 1024 : i32
      %parallel_loop3A_113 = arith.constant 1 : i32
      scf.for %parallel_loop3A_256 = %parallel_loop3A to %parallel_loop3A_112 step %parallel_loop3A_113  : i32 {
        %parallel_loop3A_257 = arith.constant 6 : i32
        %parallel_loop3A_258 = arith.shrsi %parallel_loop3A_256, %parallel_loop3A_257 : i32
        %parallel_loop3A_259 = arith.constant 63 : i32
        %parallel_loop3A_260 = arith.andi %parallel_loop3A_256, %parallel_loop3A_259 : i32
        %parallel_loop3A_261 = arith.constant 16 : i32
        %parallel_loop3A_262 = arith.muli %parallel_loop3A_260, %parallel_loop3A_261 : i32
        %parallel_loop3A_263 = arith.index_cast %parallel_loop3A_258 : i32 to index
        %parallel_loop3A_264 = arith.index_cast %parallel_loop3A_262 : i32 to index
        %parallel_loop3A_265 = tpu.vector_load %arg7[%parallel_loop3A_263, %parallel_loop3A_264] {strides = array<i32>} : memref<16x1024xf32, #tpu.memory_space<vmem>>, vector<1x16xf32>,
        %parallel_loop3A_266 = vector.shape_cast %parallel_loop3A_265 : vector<1x16xf32> to vector<16xf32>
        %parallel_loop3A_267 = arith.constant 3.200000e+01 : f32
        %parallel_loop3A_268 = vector.broadcast %parallel_loop3A_267 : f32 to vector<16xf32>
        %parallel_loop3A_269 = arith.mulf %parallel_loop3A_266, %parallel_loop3A_268 : vector<16xf32>
        %parallel_loop3A_270 = arith.constant 8 : i32
        %parallel_loop3A_271 = arith.shrsi %parallel_loop3A_256, %parallel_loop3A_270 : i32
        %parallel_loop3A_272 = arith.constant 0 : i32
        %parallel_loop3A_273 = arith.index_cast %parallel_loop3A_271 : i32 to index
        %parallel_loop3A_274 = arith.index_cast %parallel_loop3A_272 : i32 to index
        %parallel_loop3A_275 = arith.index_cast %parallel_loop3A_262 : i32 to index
        %parallel_loop3A_276 = tpu.vector_load %arg13[%parallel_loop3A_273, %parallel_loop3A_274, %parallel_loop3A_275] {strides = array<i32>} : memref<4x1x1024xf32, #tpu.memory_space<vmem>>, vector<1x1x16xf32>,
        %parallel_loop3A_277 = vector.shape_cast %parallel_loop3A_276 : vector<1x1x16xf32> to vector<16xf32>
        %parallel_loop3A_278 = arith.addf %parallel_loop3A_269, %parallel_loop3A_277 : vector<16xf32>
        %parallel_loop3A_279 = arith.constant 8 : i32
        %parallel_loop3A_280 = arith.shrsi %parallel_loop3A_256, %parallel_loop3A_279 : i32
        %parallel_loop3A_281 = arith.constant 6 : i32
        %parallel_loop3A_282 = arith.shrsi %parallel_loop3A_256, %parallel_loop3A_281 : i32
        %parallel_loop3A_283 = arith.constant 3 : i32
        %parallel_loop3A_284 = arith.andi %parallel_loop3A_282, %parallel_loop3A_283 : i32
        %parallel_loop3A_285 = arith.index_cast %parallel_loop3A_280 : i32 to index
        %parallel_loop3A_286 = arith.index_cast %parallel_loop3A_284 : i32 to index
        %parallel_loop3A_287 = arith.index_cast %parallel_loop3A_262 : i32 to index
        %parallel_loop3A_288 = tpu.vector_load %arg11[%parallel_loop3A_285, %parallel_loop3A_286, %parallel_loop3A_287] {strides = array<i32>} : memref<4x4x1024xf32, #tpu.memory_space<vmem>>, vector<1x1x16xf32>,
        %parallel_loop3A_289 = vector.shape_cast %parallel_loop3A_288 : vector<1x1x16xf32> to vector<16xf32>
        %parallel_loop3A_290 = vector.shape_cast %parallel_loop3A_278 : vector<16xf32> to vector<1x1x16xf32>
        tpu.vector_store %arg11[%parallel_loop3A_285, %parallel_loop3A_286, %parallel_loop3A_287], %parallel_loop3A_290 {strides = array<i32>} : memref<4x4x1024xf32, #tpu.memory_space<vmem>>, vector<1x1x16xf32>,
      } {sc.loop_unroll_factor = 8 : i64, sc.parallel_access}
      %mul3A_114 = arith.constant 4 : i32
      %mul3A_115 = arith.muli %add3A_94, %mul3A_114 : i32
      %add3A_116 = arith.addi %select_n3A, %mul3A_115 : i32
      %dma_start3A_117 = arith.constant 0 : i32
      %dma_start3A_118 = arith.constant 0 : i32
      %dma_start3A_119 = tpu.memref_slice %arg5[%add3A_116, %dma_start3A_117, %dma_start3A_118] : memref<4096x4x1024xf32, #tpu.memory_space<hbm>> -> memref<4x4x1024xf32, #tpu.memory_space<hbm>>
      %dma_start3A_120 = arith.constant 0 : i32
      %dma_start3A_121 = arith.constant 0 : i32
      %dma_start3A_122 = tpu.memref_slice %arg5[%add3A_116, %dma_start3A_120, %dma_start3A_121] : memref<4096x4x1024xf32, #tpu.memory_space<hbm>> -> memref<4x4x1024xf32, #tpu.memory_space<hbm>>
      tpu.enqueue_dma source(%arg11 : memref<4x4x1024xf32, #tpu.memory_space<vmem>>) target(%dma_start3A_122 : memref<4x4x1024xf32, #tpu.memory_space<hbm>>) target_semaphore(%arg25 : memref<!tpu.dma_semaphore, #tpu.memory_space<semaphore_mem>>)
      %lt3A = arith.constant 7 : i32
      %lt3A_123 = arith.cmpi slt, %scan3A_90, %lt3A : i32
      %convert_element_type3A_124 = arith.extui %lt3A_123 : i1 to i32
      %cond3A_125 = arith.constant 0 : i32
      %cond3A_126 = arith.cmpi ne, %convert_element_type3A_124, %cond3A_125 : i32
      scf.if %cond3A_126 {
        %add3A_256 = arith.constant 4 : i32
        %add3A_257 = arith.addi %add3A_94, %add3A_256 : i32
        %mul3A_258 = arith.constant 16 : i32
        %mul3A_259 = arith.muli %add3A_257, %mul3A_258 : i32
        %dma_start3A_260 = tpu.memref_slice %arg6[%mul3A_259] : memref<512xi32, #tpu.memory_space<vmem>> -> memref<16xi32, #tpu.memory_space<vmem>>
        %dma_start3A_261 = arith.constant 0 : i32
        %dma_start3A_262 = arith.constant 0 : i32
        %dma_start3A_263 = tpu.memref_slice %arg3[%dma_start3A_261, %dma_start3A_262] : memref<100000x1024xf32, #tpu.memory_space<hbm>> -> memref<100000x1024xf32, #tpu.memory_space<hbm>>
        tpu.enqueue_indirect_dma source(%dma_start3A_263 : memref<100000x1024xf32, #tpu.memory_space<hbm>>) target(%arg7 : memref<16x1024xf32, #tpu.memory_space<vmem>>) offsets(%dma_start3A_260 : memref<16xi32, #tpu.memory_space<vmem>>) semaphore(%arg17 : memref<!tpu.dma_semaphore, #tpu.memory_space<semaphore_mem>>)
        %mul3A_264 = arith.constant 4 : i32
        %mul3A_265 = arith.muli %add3A_257, %mul3A_264 : i32
        %add3A_266 = arith.addi %select_n3A, %mul3A_265 : i32
        %dma_start3A_267 = arith.constant 0 : i32
        %dma_start3A_268 = arith.constant 0 : i32
        %dma_start3A_269 = tpu.memref_slice %arg4[%add3A_266, %dma_start3A_267, %dma_start3A_268] : memref<5001x1x1024xf32, #tpu.memory_space<hbm>> -> memref<4x1x1024xf32, #tpu.memory_space<hbm>>
        %dma_start3A_270 = arith.constant 0 : i32
        %dma_start3A_271 = arith.constant 0 : i32
        %dma_start3A_272 = tpu.memref_slice %arg4[%add3A_266, %dma_start3A_270, %dma_start3A_271] : memref<5001x1x1024xf32, #tpu.memory_space<hbm>> -> memref<4x1x1024xf32, #tpu.memory_space<hbm>>
        tpu.enqueue_dma source(%dma_start3A_272 : memref<4x1x1024xf32, #tpu.memory_space<hbm>>) target(%arg13 : memref<4x1x1024xf32, #tpu.memory_space<vmem>>) target_semaphore(%arg21 : memref<!tpu.dma_semaphore, #tpu.memory_space<semaphore_mem>>)
      } else {
      }
      %add3A_127 = arith.constant 1 : i32
      %add3A_128 = arith.addi %mul3A_92, %add3A_127 : i32
      %mul3A_129 = arith.constant 16 : i32
      %mul3A_130 = arith.muli %add3A_128, %mul3A_129 : i32
      %dma_wait3A_131 = tpu.memref_slice %arg6[%mul3A_130] : memref<512xi32, #tpu.memory_space<vmem>> -> memref<16xi32, #tpu.memory_space<vmem>>
      %dma_wait3A_132 = arith.constant 0 : i32
      %dma_wait3A_133 = arith.constant 0 : i32
      %dma_wait3A_134 = tpu.memref_slice %arg3[%dma_wait3A_132, %dma_wait3A_133] : memref<100000x1024xf32, #tpu.memory_space<hbm>> -> memref<100000x1024xf32, #tpu.memory_space<hbm>>
      tpu.wait_indirect_dma semaphore(%arg18 : memref<!tpu.dma_semaphore, #tpu.memory_space<semaphore_mem>>) src(%dma_wait3A_134 : memref<100000x1024xf32, #tpu.memory_space<hbm>>) dst(%arg8 : memref<16x1024xf32, #tpu.memory_space<vmem>>)
      %mul3A_135 = arith.constant 4 : i32
      %mul3A_136 = arith.muli %add3A_128, %mul3A_135 : i32
      %add3A_137 = arith.addi %select_n3A, %mul3A_136 : i32
      %dma_wait3A_138 = arith.constant 0 : i32
      %dma_wait3A_139 = arith.constant 0 : i32
      %dma_wait3A_140 = tpu.memref_slice %arg4[%add3A_137, %dma_wait3A_138, %dma_wait3A_139] : memref<5001x1x1024xf32, #tpu.memory_space<hbm>> -> memref<4x1x1024xf32, #tpu.memory_space<hbm>>
      %dma_wait3A_141 = arith.constant 0 : i32
      %dma_wait3A_142 = arith.constant 0 : i32
      %dma_wait3A_143 = tpu.memref_slice %arg4[%add3A_137, %dma_wait3A_141, %dma_wait3A_142] : memref<5001x1x1024xf32, #tpu.memory_space<hbm>> -> memref<4x1x1024xf32, #tpu.memory_space<hbm>>
      tpu.wait_dma2 semaphore(%arg22 : memref<!tpu.dma_semaphore, #tpu.memory_space<semaphore_mem>>) src(%dma_wait3A_143 : memref<4x1x1024xf32, #tpu.memory_space<hbm>>) dst(%arg14 : memref<4x1x1024xf32, #tpu.memory_space<vmem>>)
      %gt3A_144 = arith.constant 0 : i32
      %gt3A_145 = arith.cmpi sgt, %scan3A_90, %gt3A_144 : i32
      %convert_element_type3A_146 = arith.extui %gt3A_145 : i1 to i32
      %cond3A_147 = arith.constant 0 : i32
      %cond3A_148 = arith.cmpi ne, %convert_element_type3A_146, %cond3A_147 : i32
      scf.if %cond3A_148 {
        %sub3A_256 = arith.constant 2 : i32
        %sub3A_257 = arith.subi %add3A_128, %sub3A_256 : i32
        %mul3A_258 = arith.constant 4 : i32
        %mul3A_259 = arith.muli %sub3A_257, %mul3A_258 : i32
        %add3A_260 = arith.addi %select_n3A, %mul3A_259 : i32
        %dma_wait3A_261 = arith.constant 0 : i32
        %dma_wait3A_262 = arith.constant 0 : i32
        %dma_wait3A_263 = tpu.memref_slice %arg5[%add3A_260, %dma_wait3A_261, %dma_wait3A_262] : memref<4096x4x1024xf32, #tpu.memory_space<hbm>> -> memref<4x4x1024xf32, #tpu.memory_space<hbm>>
        %dma_wait3A_264 = arith.constant 0 : i32
        %dma_wait3A_265 = arith.constant 0 : i32
        %dma_wait3A_266 = tpu.memref_slice %arg5[%add3A_260, %dma_wait3A_264, %dma_wait3A_265] : memref<4096x4x1024xf32, #tpu.memory_space<hbm>> -> memref<4x4x1024xf32, #tpu.memory_space<hbm>>
        tpu.wait_dma2 semaphore(%arg26 : memref<!tpu.dma_semaphore, #tpu.memory_space<semaphore_mem>>) src(%arg12 : memref<4x4x1024xf32, #tpu.memory_space<vmem>>) dst(%dma_wait3A_266 : memref<4x4x1024xf32, #tpu.memory_space<hbm>>)
      } else {
      }
      %parallel_loop3A_149 = arith.constant 0 : i32
      %parallel_loop3A_150 = arith.constant 1024 : i32
      %parallel_loop3A_151 = arith.constant 1 : i32
      scf.for %parallel_loop3A_256 = %parallel_loop3A_149 to %parallel_loop3A_150 step %parallel_loop3A_151  : i32 {
        %parallel_loop3A_257 = arith.constant 6 : i32
        %parallel_loop3A_258 = arith.shrsi %parallel_loop3A_256, %parallel_loop3A_257 : i32
        %parallel_loop3A_259 = arith.constant 63 : i32
        %parallel_loop3A_260 = arith.andi %parallel_loop3A_256, %parallel_loop3A_259 : i32
        %parallel_loop3A_261 = arith.constant 16 : i32
        %parallel_loop3A_262 = arith.muli %parallel_loop3A_260, %parallel_loop3A_261 : i32
        %parallel_loop3A_263 = arith.index_cast %parallel_loop3A_258 : i32 to index
        %parallel_loop3A_264 = arith.index_cast %parallel_loop3A_262 : i32 to index
        %parallel_loop3A_265 = tpu.vector_load %arg8[%parallel_loop3A_263, %parallel_loop3A_264] {strides = array<i32>} : memref<16x1024xf32, #tpu.memory_space<vmem>>, vector<1x16xf32>,
        %parallel_loop3A_266 = vector.shape_cast %parallel_loop3A_265 : vector<1x16xf32> to vector<16xf32>
        %parallel_loop3A_267 = arith.constant 3.200000e+01 : f32
        %parallel_loop3A_268 = vector.broadcast %parallel_loop3A_267 : f32 to vector<16xf32>
        %parallel_loop3A_269 = arith.mulf %parallel_loop3A_266, %parallel_loop3A_268 : vector<16xf32>
        %parallel_loop3A_270 = arith.constant 8 : i32
        %parallel_loop3A_271 = arith.shrsi %parallel_loop3A_256, %parallel_loop3A_270 : i32
        %parallel_loop3A_272 = arith.constant 0 : i32
        %parallel_loop3A_273 = arith.index_cast %parallel_loop3A_271 : i32 to index
        %parallel_loop3A_274 = arith.index_cast %parallel_loop3A_272 : i32 to index
        %parallel_loop3A_275 = arith.index_cast %parallel_loop3A_262 : i32 to index
        %parallel_loop3A_276 = tpu.vector_load %arg14[%parallel_loop3A_273, %parallel_loop3A_274, %parallel_loop3A_275] {strides = array<i32>} : memref<4x1x1024xf32, #tpu.memory_space<vmem>>, vector<1x1x16xf32>,
        %parallel_loop3A_277 = vector.shape_cast %parallel_loop3A_276 : vector<1x1x16xf32> to vector<16xf32>
        %parallel_loop3A_278 = arith.addf %parallel_loop3A_269, %parallel_loop3A_277 : vector<16xf32>
        %parallel_loop3A_279 = arith.constant 8 : i32
        %parallel_loop3A_280 = arith.shrsi %parallel_loop3A_256, %parallel_loop3A_279 : i32
        %parallel_loop3A_281 = arith.constant 6 : i32
        %parallel_loop3A_282 = arith.shrsi %parallel_loop3A_256, %parallel_loop3A_281 : i32
        %parallel_loop3A_283 = arith.constant 3 : i32
        %parallel_loop3A_284 = arith.andi %parallel_loop3A_282, %parallel_loop3A_283 : i32
        %parallel_loop3A_285 = arith.index_cast %parallel_loop3A_280 : i32 to index
        %parallel_loop3A_286 = arith.index_cast %parallel_loop3A_284 : i32 to index
        %parallel_loop3A_287 = arith.index_cast %parallel_loop3A_262 : i32 to index
        %parallel_loop3A_288 = tpu.vector_load %arg12[%parallel_loop3A_285, %parallel_loop3A_286, %parallel_loop3A_287] {strides = array<i32>} : memref<4x4x1024xf32, #tpu.memory_space<vmem>>, vector<1x1x16xf32>,
        %parallel_loop3A_289 = vector.shape_cast %parallel_loop3A_288 : vector<1x1x16xf32> to vector<16xf32>
        %parallel_loop3A_290 = vector.shape_cast %parallel_loop3A_278 : vector<16xf32> to vector<1x1x16xf32>
        tpu.vector_store %arg12[%parallel_loop3A_285, %parallel_loop3A_286, %parallel_loop3A_287], %parallel_loop3A_290 {strides = array<i32>} : memref<4x4x1024xf32, #tpu.memory_space<vmem>>, vector<1x1x16xf32>,
      } {sc.loop_unroll_factor = 8 : i64, sc.parallel_access}
      %mul3A_152 = arith.constant 4 : i32
      %mul3A_153 = arith.muli %add3A_128, %mul3A_152 : i32
      %add3A_154 = arith.addi %select_n3A, %mul3A_153 : i32
      %dma_start3A_155 = arith.constant 0 : i32
      %dma_start3A_156 = arith.constant 0 : i32
      %dma_start3A_157 = tpu.memref_slice %arg5[%add3A_154, %dma_start3A_155, %dma_start3A_156] : memref<4096x4x1024xf32, #tpu.memory_space<hbm>> -> memref<4x4x1024xf32, #tpu.memory_space<hbm>>
      %dma_start3A_158 = arith.constant 0 : i32
      %dma_start3A_159 = arith.constant 0 : i32
      %dma_start3A_160 = tpu.memref_slice %arg5[%add3A_154, %dma_start3A_158, %dma_start3A_159] : memref<4096x4x1024xf32, #tpu.memory_space<hbm>> -> memref<4x4x1024xf32, #tpu.memory_space<hbm>>
      tpu.enqueue_dma source(%arg12 : memref<4x4x1024xf32, #tpu.memory_space<vmem>>) target(%dma_start3A_160 : memref<4x4x1024xf32, #tpu.memory_space<hbm>>) target_semaphore(%arg26 : memref<!tpu.dma_semaphore, #tpu.memory_space<semaphore_mem>>)
      %lt3A_161 = arith.constant 7 : i32
      %lt3A_162 = arith.cmpi slt, %scan3A_90, %lt3A_161 : i32
      %convert_element_type3A_163 = arith.extui %lt3A_162 : i1 to i32
      %cond3A_164 = arith.constant 0 : i32
      %cond3A_165 = arith.cmpi ne, %convert_element_type3A_163, %cond3A_164 : i32
      scf.if %cond3A_165 {
        %add3A_256 = arith.constant 4 : i32
        %add3A_257 = arith.addi %add3A_128, %add3A_256 : i32
        %mul3A_258 = arith.constant 16 : i32
        %mul3A_259 = arith.muli %add3A_257, %mul3A_258 : i32
        %dma_start3A_260 = tpu.memref_slice %arg6[%mul3A_259] : memref<512xi32, #tpu.memory_space<vmem>> -> memref<16xi32, #tpu.memory_space<vmem>>
        %dma_start3A_261 = arith.constant 0 : i32
        %dma_start3A_262 = arith.constant 0 : i32
        %dma_start3A_263 = tpu.memref_slice %arg3[%dma_start3A_261, %dma_start3A_262] : memref<100000x1024xf32, #tpu.memory_space<hbm>> -> memref<100000x1024xf32, #tpu.memory_space<hbm>>
        tpu.enqueue_indirect_dma source(%dma_start3A_263 : memref<100000x1024xf32, #tpu.memory_space<hbm>>) target(%arg8 : memref<16x1024xf32, #tpu.memory_space<vmem>>) offsets(%dma_start3A_260 : memref<16xi32, #tpu.memory_space<vmem>>) semaphore(%arg18 : memref<!tpu.dma_semaphore, #tpu.memory_space<semaphore_mem>>)
        %mul3A_264 = arith.constant 4 : i32
        %mul3A_265 = arith.muli %add3A_257, %mul3A_264 : i32
        %add3A_266 = arith.addi %select_n3A, %mul3A_265 : i32
        %dma_start3A_267 = arith.constant 0 : i32
        %dma_start3A_268 = arith.constant 0 : i32
        %dma_start3A_269 = tpu.memref_slice %arg4[%add3A_266, %dma_start3A_267, %dma_start3A_268] : memref<5001x1x1024xf32, #tpu.memory_space<hbm>> -> memref<4x1x1024xf32, #tpu.memory_space<hbm>>
        %dma_start3A_270 = arith.constant 0 : i32
        %dma_start3A_271 = arith.constant 0 : i32
        %dma_start3A_272 = tpu.memref_slice %arg4[%add3A_266, %dma_start3A_270, %dma_start3A_271] : memref<5001x1x1024xf32, #tpu.memory_space<hbm>> -> memref<4x1x1024xf32, #tpu.memory_space<hbm>>
        tpu.enqueue_dma source(%dma_start3A_272 : memref<4x1x1024xf32, #tpu.memory_space<hbm>>) target(%arg14 : memref<4x1x1024xf32, #tpu.memory_space<vmem>>) target_semaphore(%arg22 : memref<!tpu.dma_semaphore, #tpu.memory_space<semaphore_mem>>)
      } else {
      }
      %add3A_166 = arith.constant 2 : i32
      %add3A_167 = arith.addi %mul3A_92, %add3A_166 : i32
      %mul3A_168 = arith.constant 16 : i32
      %mul3A_169 = arith.muli %add3A_167, %mul3A_168 : i32
      %dma_wait3A_170 = tpu.memref_slice %arg6[%mul3A_169] : memref<512xi32, #tpu.memory_space<vmem>> -> memref<16xi32, #tpu.memory_space<vmem>>
      %dma_wait3A_171 = arith.constant 0 : i32
      %dma_wait3A_172 = arith.constant 0 : i32
      %dma_wait3A_173 = tpu.memref_slice %arg3[%dma_wait3A_171, %dma_wait3A_172] : memref<100000x1024xf32, #tpu.memory_space<hbm>> -> memref<100000x1024xf32, #tpu.memory_space<hbm>>
      tpu.wait_indirect_dma semaphore(%arg19 : memref<!tpu.dma_semaphore, #tpu.memory_space<semaphore_mem>>) src(%dma_wait3A_173 : memref<100000x1024xf32, #tpu.memory_space<hbm>>) dst(%arg9 : memref<16x1024xf32, #tpu.memory_space<vmem>>)
      %mul3A_174 = arith.constant 4 : i32
      %mul3A_175 = arith.muli %add3A_167, %mul3A_174 : i32
      %add3A_176 = arith.addi %select_n3A, %mul3A_175 : i32
      %dma_wait3A_177 = arith.constant 0 : i32
      %dma_wait3A_178 = arith.constant 0 : i32
      %dma_wait3A_179 = tpu.memref_slice %arg4[%add3A_176, %dma_wait3A_177, %dma_wait3A_178] : memref<5001x1x1024xf32, #tpu.memory_space<hbm>> -> memref<4x1x1024xf32, #tpu.memory_space<hbm>>
      %dma_wait3A_180 = arith.constant 0 : i32
      %dma_wait3A_181 = arith.constant 0 : i32
      %dma_wait3A_182 = tpu.memref_slice %arg4[%add3A_176, %dma_wait3A_180, %dma_wait3A_181] : memref<5001x1x1024xf32, #tpu.memory_space<hbm>> -> memref<4x1x1024xf32, #tpu.memory_space<hbm>>
      tpu.wait_dma2 semaphore(%arg23 : memref<!tpu.dma_semaphore, #tpu.memory_space<semaphore_mem>>) src(%dma_wait3A_182 : memref<4x1x1024xf32, #tpu.memory_space<hbm>>) dst(%arg15 : memref<4x1x1024xf32, #tpu.memory_space<vmem>>)
      %sub3A_183 = arith.constant 2 : i32
      %sub3A_184 = arith.subi %add3A_167, %sub3A_183 : i32
      %mul3A_185 = arith.constant 4 : i32
      %mul3A_186 = arith.muli %sub3A_184, %mul3A_185 : i32
      %add3A_187 = arith.addi %select_n3A, %mul3A_186 : i32
      %dma_wait3A_188 = arith.constant 0 : i32
      %dma_wait3A_189 = arith.constant 0 : i32
      %dma_wait3A_190 = tpu.memref_slice %arg5[%add3A_187, %dma_wait3A_188, %dma_wait3A_189] : memref<4096x4x1024xf32, #tpu.memory_space<hbm>> -> memref<4x4x1024xf32, #tpu.memory_space<hbm>>
      %dma_wait3A_191 = arith.constant 0 : i32
      %dma_wait3A_192 = arith.constant 0 : i32
      %dma_wait3A_193 = tpu.memref_slice %arg5[%add3A_187, %dma_wait3A_191, %dma_wait3A_192] : memref<4096x4x1024xf32, #tpu.memory_space<hbm>> -> memref<4x4x1024xf32, #tpu.memory_space<hbm>>
      tpu.wait_dma2 semaphore(%arg25 : memref<!tpu.dma_semaphore, #tpu.memory_space<semaphore_mem>>) src(%arg11 : memref<4x4x1024xf32, #tpu.memory_space<vmem>>) dst(%dma_wait3A_193 : memref<4x4x1024xf32, #tpu.memory_space<hbm>>)
      %parallel_loop3A_194 = arith.constant 0 : i32
      %parallel_loop3A_195 = arith.constant 1024 : i32
      %parallel_loop3A_196 = arith.constant 1 : i32
      scf.for %parallel_loop3A_256 = %parallel_loop3A_194 to %parallel_loop3A_195 step %parallel_loop3A_196  : i32 {
        %parallel_loop3A_257 = arith.constant 6 : i32
        %parallel_loop3A_258 = arith.shrsi %parallel_loop3A_256, %parallel_loop3A_257 : i32
        %parallel_loop3A_259 = arith.constant 63 : i32
        %parallel_loop3A_260 = arith.andi %parallel_loop3A_256, %parallel_loop3A_259 : i32
        %parallel_loop3A_261 = arith.constant 16 : i32
        %parallel_loop3A_262 = arith.muli %parallel_loop3A_260, %parallel_loop3A_261 : i32
        %parallel_loop3A_263 = arith.index_cast %parallel_loop3A_258 : i32 to index
        %parallel_loop3A_264 = arith.index_cast %parallel_loop3A_262 : i32 to index
        %parallel_loop3A_265 = tpu.vector_load %arg9[%parallel_loop3A_263, %parallel_loop3A_264] {strides = array<i32>} : memref<16x1024xf32, #tpu.memory_space<vmem>>, vector<1x16xf32>,
        %parallel_loop3A_266 = vector.shape_cast %parallel_loop3A_265 : vector<1x16xf32> to vector<16xf32>
        %parallel_loop3A_267 = arith.constant 3.200000e+01 : f32
        %parallel_loop3A_268 = vector.broadcast %parallel_loop3A_267 : f32 to vector<16xf32>
        %parallel_loop3A_269 = arith.mulf %parallel_loop3A_266, %parallel_loop3A_268 : vector<16xf32>
        %parallel_loop3A_270 = arith.constant 8 : i32
        %parallel_loop3A_271 = arith.shrsi %parallel_loop3A_256, %parallel_loop3A_270 : i32
        %parallel_loop3A_272 = arith.constant 0 : i32
        %parallel_loop3A_273 = arith.index_cast %parallel_loop3A_271 : i32 to index
        %parallel_loop3A_274 = arith.index_cast %parallel_loop3A_272 : i32 to index
        %parallel_loop3A_275 = arith.index_cast %parallel_loop3A_262 : i32 to index
        %parallel_loop3A_276 = tpu.vector_load %arg15[%parallel_loop3A_273, %parallel_loop3A_274, %parallel_loop3A_275] {strides = array<i32>} : memref<4x1x1024xf32, #tpu.memory_space<vmem>>, vector<1x1x16xf32>,
        %parallel_loop3A_277 = vector.shape_cast %parallel_loop3A_276 : vector<1x1x16xf32> to vector<16xf32>
        %parallel_loop3A_278 = arith.addf %parallel_loop3A_269, %parallel_loop3A_277 : vector<16xf32>
        %parallel_loop3A_279 = arith.constant 8 : i32
        %parallel_loop3A_280 = arith.shrsi %parallel_loop3A_256, %parallel_loop3A_279 : i32
        %parallel_loop3A_281 = arith.constant 6 : i32
        %parallel_loop3A_282 = arith.shrsi %parallel_loop3A_256, %parallel_loop3A_281 : i32
        %parallel_loop3A_283 = arith.constant 3 : i32
        %parallel_loop3A_284 = arith.andi %parallel_loop3A_282, %parallel_loop3A_283 : i32
        %parallel_loop3A_285 = arith.index_cast %parallel_loop3A_280 : i32 to index
        %parallel_loop3A_286 = arith.index_cast %parallel_loop3A_284 : i32 to index
        %parallel_loop3A_287 = arith.index_cast %parallel_loop3A_262 : i32 to index
        %parallel_loop3A_288 = tpu.vector_load %arg11[%parallel_loop3A_285, %parallel_loop3A_286, %parallel_loop3A_287] {strides = array<i32>} : memref<4x4x1024xf32, #tpu.memory_space<vmem>>, vector<1x1x16xf32>,
        %parallel_loop3A_289 = vector.shape_cast %parallel_loop3A_288 : vector<1x1x16xf32> to vector<16xf32>
        %parallel_loop3A_290 = vector.shape_cast %parallel_loop3A_278 : vector<16xf32> to vector<1x1x16xf32>
        tpu.vector_store %arg11[%parallel_loop3A_285, %parallel_loop3A_286, %parallel_loop3A_287], %parallel_loop3A_290 {strides = array<i32>} : memref<4x4x1024xf32, #tpu.memory_space<vmem>>, vector<1x1x16xf32>,
      } {sc.loop_unroll_factor = 8 : i64, sc.parallel_access}
      %mul3A_197 = arith.constant 4 : i32
      %mul3A_198 = arith.muli %add3A_167, %mul3A_197 : i32
      %add3A_199 = arith.addi %select_n3A, %mul3A_198 : i32
      %dma_start3A_200 = arith.constant 0 : i32
      %dma_start3A_201 = arith.constant 0 : i32
      %dma_start3A_202 = tpu.memref_slice %arg5[%add3A_199, %dma_start3A_200, %dma_start3A_201] : memref<4096x4x1024xf32, #tpu.memory_space<hbm>> -> memref<4x4x1024xf32, #tpu.memory_space<hbm>>
      %dma_start3A_203 = arith.constant 0 : i32
      %dma_start3A_204 = arith.constant 0 : i32
      %dma_start3A_205 = tpu.memref_slice %arg5[%add3A_199, %dma_start3A_203, %dma_start3A_204] : memref<4096x4x1024xf32, #tpu.memory_space<hbm>> -> memref<4x4x1024xf32, #tpu.memory_space<hbm>>
      tpu.enqueue_dma source(%arg11 : memref<4x4x1024xf32, #tpu.memory_space<vmem>>) target(%dma_start3A_205 : memref<4x4x1024xf32, #tpu.memory_space<hbm>>) target_semaphore(%arg25 : memref<!tpu.dma_semaphore, #tpu.memory_space<semaphore_mem>>)
      %lt3A_206 = arith.constant 7 : i32
      %lt3A_207 = arith.cmpi slt, %scan3A_90, %lt3A_206 : i32
      %convert_element_type3A_208 = arith.extui %lt3A_207 : i1 to i32
      %cond3A_209 = arith.constant 0 : i32
      %cond3A_210 = arith.cmpi ne, %convert_element_type3A_208, %cond3A_209 : i32
      scf.if %cond3A_210 {
        %add3A_256 = arith.constant 4 : i32
        %add3A_257 = arith.addi %add3A_167, %add3A_256 : i32
        %mul3A_258 = arith.constant 16 : i32
        %mul3A_259 = arith.muli %add3A_257, %mul3A_258 : i32
        %dma_start3A_260 = tpu.memref_slice %arg6[%mul3A_259] : memref<512xi32, #tpu.memory_space<vmem>> -> memref<16xi32, #tpu.memory_space<vmem>>
        %dma_start3A_261 = arith.constant 0 : i32
        %dma_start3A_262 = arith.constant 0 : i32
        %dma_start3A_263 = tpu.memref_slice %arg3[%dma_start3A_261, %dma_start3A_262] : memref<100000x1024xf32, #tpu.memory_space<hbm>> -> memref<100000x1024xf32, #tpu.memory_space<hbm>>
        tpu.enqueue_indirect_dma source(%dma_start3A_263 : memref<100000x1024xf32, #tpu.memory_space<hbm>>) target(%arg9 : memref<16x1024xf32, #tpu.memory_space<vmem>>) offsets(%dma_start3A_260 : memref<16xi32, #tpu.memory_space<vmem>>) semaphore(%arg19 : memref<!tpu.dma_semaphore, #tpu.memory_space<semaphore_mem>>)
        %mul3A_264 = arith.constant 4 : i32
        %mul3A_265 = arith.muli %add3A_257, %mul3A_264 : i32
        %add3A_266 = arith.addi %select_n3A, %mul3A_265 : i32
        %dma_start3A_267 = arith.constant 0 : i32
        %dma_start3A_268 = arith.constant 0 : i32
        %dma_start3A_269 = tpu.memref_slice %arg4[%add3A_266, %dma_start3A_267, %dma_start3A_268] : memref<5001x1x1024xf32, #tpu.memory_space<hbm>> -> memref<4x1x1024xf32, #tpu.memory_space<hbm>>
        %dma_start3A_270 = arith.constant 0 : i32
        %dma_start3A_271 = arith.constant 0 : i32
        %dma_start3A_272 = tpu.memref_slice %arg4[%add3A_266, %dma_start3A_270, %dma_start3A_271] : memref<5001x1x1024xf32, #tpu.memory_space<hbm>> -> memref<4x1x1024xf32, #tpu.memory_space<hbm>>
        tpu.enqueue_dma source(%dma_start3A_272 : memref<4x1x1024xf32, #tpu.memory_space<hbm>>) target(%arg15 : memref<4x1x1024xf32, #tpu.memory_space<vmem>>) target_semaphore(%arg23 : memref<!tpu.dma_semaphore, #tpu.memory_space<semaphore_mem>>)
      } else {
      }
      %add3A_211 = arith.constant 3 : i32
      %add3A_212 = arith.addi %mul3A_92, %add3A_211 : i32
      %mul3A_213 = arith.constant 16 : i32
      %mul3A_214 = arith.muli %add3A_212, %mul3A_213 : i32
      %dma_wait3A_215 = tpu.memref_slice %arg6[%mul3A_214] : memref<512xi32, #tpu.memory_space<vmem>> -> memref<16xi32, #tpu.memory_space<vmem>>
      %dma_wait3A_216 = arith.constant 0 : i32
      %dma_wait3A_217 = arith.constant 0 : i32
      %dma_wait3A_218 = tpu.memref_slice %arg3[%dma_wait3A_216, %dma_wait3A_217] : memref<100000x1024xf32, #tpu.memory_space<hbm>> -> memref<100000x1024xf32, #tpu.memory_space<hbm>>
      tpu.wait_indirect_dma semaphore(%arg20 : memref<!tpu.dma_semaphore, #tpu.memory_space<semaphore_mem>>) src(%dma_wait3A_218 : memref<100000x1024xf32, #tpu.memory_space<hbm>>) dst(%arg10 : memref<16x1024xf32, #tpu.memory_space<vmem>>)
      %mul3A_219 = arith.constant 4 : i32
      %mul3A_220 = arith.muli %add3A_212, %mul3A_219 : i32
      %add3A_221 = arith.addi %select_n3A, %mul3A_220 : i32
      %dma_wait3A_222 = arith.constant 0 : i32
      %dma_wait3A_223 = arith.constant 0 : i32
      %dma_wait3A_224 = tpu.memref_slice %arg4[%add3A_221, %dma_wait3A_222, %dma_wait3A_223] : memref<5001x1x1024xf32, #tpu.memory_space<hbm>> -> memref<4x1x1024xf32, #tpu.memory_space<hbm>>
      %dma_wait3A_225 = arith.constant 0 : i32
      %dma_wait3A_226 = arith.constant 0 : i32
      %dma_wait3A_227 = tpu.memref_slice %arg4[%add3A_221, %dma_wait3A_225, %dma_wait3A_226] : memref<5001x1x1024xf32, #tpu.memory_space<hbm>> -> memref<4x1x1024xf32, #tpu.memory_space<hbm>>
      tpu.wait_dma2 semaphore(%arg24 : memref<!tpu.dma_semaphore, #tpu.memory_space<semaphore_mem>>) src(%dma_wait3A_227 : memref<4x1x1024xf32, #tpu.memory_space<hbm>>) dst(%arg16 : memref<4x1x1024xf32, #tpu.memory_space<vmem>>)
      %sub3A_228 = arith.constant 2 : i32
      %sub3A_229 = arith.subi %add3A_212, %sub3A_228 : i32
      %mul3A_230 = arith.constant 4 : i32
      %mul3A_231 = arith.muli %sub3A_229, %mul3A_230 : i32
      %add3A_232 = arith.addi %select_n3A, %mul3A_231 : i32
      %dma_wait3A_233 = arith.constant 0 : i32
      %dma_wait3A_234 = arith.constant 0 : i32
      %dma_wait3A_235 = tpu.memref_slice %arg5[%add3A_232, %dma_wait3A_233, %dma_wait3A_234] : memref<4096x4x1024xf32, #tpu.memory_space<hbm>> -> memref<4x4x1024xf32, #tpu.memory_space<hbm>>
      %dma_wait3A_236 = arith.constant 0 : i32
      %dma_wait3A_237 = arith.constant 0 : i32
      %dma_wait3A_238 = tpu.memref_slice %arg5[%add3A_232, %dma_wait3A_236, %dma_wait3A_237] : memref<4096x4x1024xf32, #tpu.memory_space<hbm>> -> memref<4x4x1024xf32, #tpu.memory_space<hbm>>
      tpu.wait_dma2 semaphore(%arg26 : memref<!tpu.dma_semaphore, #tpu.memory_space<semaphore_mem>>) src(%arg12 : memref<4x4x1024xf32, #tpu.memory_space<vmem>>) dst(%dma_wait3A_238 : memref<4x4x1024xf32, #tpu.memory_space<hbm>>)
      %parallel_loop3A_239 = arith.constant 0 : i32
      %parallel_loop3A_240 = arith.constant 1024 : i32
      %parallel_loop3A_241 = arith.constant 1 : i32
      scf.for %parallel_loop3A_256 = %parallel_loop3A_239 to %parallel_loop3A_240 step %parallel_loop3A_241  : i32 {
        %parallel_loop3A_257 = arith.constant 6 : i32
        %parallel_loop3A_258 = arith.shrsi %parallel_loop3A_256, %parallel_loop3A_257 : i32
        %parallel_loop3A_259 = arith.constant 63 : i32
        %parallel_loop3A_260 = arith.andi %parallel_loop3A_256, %parallel_loop3A_259 : i32
        %parallel_loop3A_261 = arith.constant 16 : i32
        %parallel_loop3A_262 = arith.muli %parallel_loop3A_260, %parallel_loop3A_261 : i32
        %parallel_loop3A_263 = arith.index_cast %parallel_loop3A_258 : i32 to index
        %parallel_loop3A_264 = arith.index_cast %parallel_loop3A_262 : i32 to index
        %parallel_loop3A_265 = tpu.vector_load %arg10[%parallel_loop3A_263, %parallel_loop3A_264] {strides = array<i32>} : memref<16x1024xf32, #tpu.memory_space<vmem>>, vector<1x16xf32>,
        %parallel_loop3A_266 = vector.shape_cast %parallel_loop3A_265 : vector<1x16xf32> to vector<16xf32>
        %parallel_loop3A_267 = arith.constant 3.200000e+01 : f32
        %parallel_loop3A_268 = vector.broadcast %parallel_loop3A_267 : f32 to vector<16xf32>
        %parallel_loop3A_269 = arith.mulf %parallel_loop3A_266, %parallel_loop3A_268 : vector<16xf32>
        %parallel_loop3A_270 = arith.constant 8 : i32
        %parallel_loop3A_271 = arith.shrsi %parallel_loop3A_256, %parallel_loop3A_270 : i32
        %parallel_loop3A_272 = arith.constant 0 : i32
        %parallel_loop3A_273 = arith.index_cast %parallel_loop3A_271 : i32 to index
        %parallel_loop3A_274 = arith.index_cast %parallel_loop3A_272 : i32 to index
        %parallel_loop3A_275 = arith.index_cast %parallel_loop3A_262 : i32 to index
        %parallel_loop3A_276 = tpu.vector_load %arg16[%parallel_loop3A_273, %parallel_loop3A_274, %parallel_loop3A_275] {strides = array<i32>} : memref<4x1x1024xf32, #tpu.memory_space<vmem>>, vector<1x1x16xf32>,
        %parallel_loop3A_277 = vector.shape_cast %parallel_loop3A_276 : vector<1x1x16xf32> to vector<16xf32>
        %parallel_loop3A_278 = arith.addf %parallel_loop3A_269, %parallel_loop3A_277 : vector<16xf32>
        %parallel_loop3A_279 = arith.constant 8 : i32
        %parallel_loop3A_280 = arith.shrsi %parallel_loop3A_256, %parallel_loop3A_279 : i32
        %parallel_loop3A_281 = arith.constant 6 : i32
        %parallel_loop3A_282 = arith.shrsi %parallel_loop3A_256, %parallel_loop3A_281 : i32
        %parallel_loop3A_283 = arith.constant 3 : i32
        %parallel_loop3A_284 = arith.andi %parallel_loop3A_282, %parallel_loop3A_283 : i32
        %parallel_loop3A_285 = arith.index_cast %parallel_loop3A_280 : i32 to index
        %parallel_loop3A_286 = arith.index_cast %parallel_loop3A_284 : i32 to index
        %parallel_loop3A_287 = arith.index_cast %parallel_loop3A_262 : i32 to index
        %parallel_loop3A_288 = tpu.vector_load %arg12[%parallel_loop3A_285, %parallel_loop3A_286, %parallel_loop3A_287] {strides = array<i32>} : memref<4x4x1024xf32, #tpu.memory_space<vmem>>, vector<1x1x16xf32>,
        %parallel_loop3A_289 = vector.shape_cast %parallel_loop3A_288 : vector<1x1x16xf32> to vector<16xf32>
        %parallel_loop3A_290 = vector.shape_cast %parallel_loop3A_278 : vector<16xf32> to vector<1x1x16xf32>
        tpu.vector_store %arg12[%parallel_loop3A_285, %parallel_loop3A_286, %parallel_loop3A_287], %parallel_loop3A_290 {strides = array<i32>} : memref<4x4x1024xf32, #tpu.memory_space<vmem>>, vector<1x1x16xf32>,
      } {sc.loop_unroll_factor = 8 : i64, sc.parallel_access}
      %mul3A_242 = arith.constant 4 : i32
      %mul3A_243 = arith.muli %add3A_212, %mul3A_242 : i32
      %add3A_244 = arith.addi %select_n3A, %mul3A_243 : i32
      %dma_start3A_245 = arith.constant 0 : i32
      %dma_start3A_246 = arith.constant 0 : i32
      %dma_start3A_247 = tpu.memref_slice %arg5[%add3A_244, %dma_start3A_245, %dma_start3A_246] : memref<4096x4x1024xf32, #tpu.memory_space<hbm>> -> memref<4x4x1024xf32, #tpu.memory_space<hbm>>
      %dma_start3A_248 = arith.constant 0 : i32
      %dma_start3A_249 = arith.constant 0 : i32
      %dma_start3A_250 = tpu.memref_slice %arg5[%add3A_244, %dma_start3A_248, %dma_start3A_249] : memref<4096x4x1024xf32, #tpu.memory_space<hbm>> -> memref<4x4x1024xf32, #tpu.memory_space<hbm>>
      tpu.enqueue_dma source(%arg12 : memref<4x4x1024xf32, #tpu.memory_space<vmem>>) target(%dma_start3A_250 : memref<4x4x1024xf32, #tpu.memory_space<hbm>>) target_semaphore(%arg26 : memref<!tpu.dma_semaphore, #tpu.memory_space<semaphore_mem>>)
      %lt3A_251 = arith.constant 7 : i32
      %lt3A_252 = arith.cmpi slt, %scan3A_90, %lt3A_251 : i32
      %convert_element_type3A_253 = arith.extui %lt3A_252 : i1 to i32
      %cond3A_254 = arith.constant 0 : i32
      %cond3A_255 = arith.cmpi ne, %convert_element_type3A_253, %cond3A_254 : i32
      scf.if %cond3A_255 {
        %add3A_256 = arith.constant 4 : i32
        %add3A_257 = arith.addi %add3A_212, %add3A_256 : i32
        %mul3A_258 = arith.constant 16 : i32
        %mul3A_259 = arith.muli %add3A_257, %mul3A_258 : i32
        %dma_start3A_260 = tpu.memref_slice %arg6[%mul3A_259] : memref<512xi32, #tpu.memory_space<vmem>> -> memref<16xi32, #tpu.memory_space<vmem>>
        %dma_start3A_261 = arith.constant 0 : i32
        %dma_start3A_262 = arith.constant 0 : i32
        %dma_start3A_263 = tpu.memref_slice %arg3[%dma_start3A_261, %dma_start3A_262] : memref<100000x1024xf32, #tpu.memory_space<hbm>> -> memref<100000x1024xf32, #tpu.memory_space<hbm>>
        tpu.enqueue_indirect_dma source(%dma_start3A_263 : memref<100000x1024xf32, #tpu.memory_space<hbm>>) target(%arg10 : memref<16x1024xf32, #tpu.memory_space<vmem>>) offsets(%dma_start3A_260 : memref<16xi32, #tpu.memory_space<vmem>>) semaphore(%arg20 : memref<!tpu.dma_semaphore, #tpu.memory_space<semaphore_mem>>)
        %mul3A_264 = arith.constant 4 : i32
        %mul3A_265 = arith.muli %add3A_257, %mul3A_264 : i32
        %add3A_266 = arith.addi %select_n3A, %mul3A_265 : i32
        %dma_start3A_267 = arith.constant 0 : i32
        %dma_start3A_268 = arith.constant 0 : i32
        %dma_start3A_269 = tpu.memref_slice %arg4[%add3A_266, %dma_start3A_267, %dma_start3A_268] : memref<5001x1x1024xf32, #tpu.memory_space<hbm>> -> memref<4x1x1024xf32, #tpu.memory_space<hbm>>
        %dma_start3A_270 = arith.constant 0 : i32
        %dma_start3A_271 = arith.constant 0 : i32
        %dma_start3A_272 = tpu.memref_slice %arg4[%add3A_266, %dma_start3A_270, %dma_start3A_271] : memref<5001x1x1024xf32, #tpu.memory_space<hbm>> -> memref<4x1x1024xf32, #tpu.memory_space<hbm>>
        tpu.enqueue_dma source(%dma_start3A_272 : memref<4x1x1024xf32, #tpu.memory_space<hbm>>) target(%arg16 : memref<4x1x1024xf32, #tpu.memory_space<vmem>>) target_semaphore(%arg24 : memref<!tpu.dma_semaphore, #tpu.memory_space<semaphore_mem>>)
      } else {
      }
    }
    %scan3A_74 = arith.constant 8 : i32
    %add3A_75 = arith.constant 120 : i32
    %add3A_76 = arith.addi %select_n3A, %add3A_75 : i32
    %dma_wait3A = arith.constant 0 : i32
    %dma_wait3A_77 = arith.constant 0 : i32
    %dma_wait3A_78 = tpu.memref_slice %arg5[%add3A_76, %dma_wait3A, %dma_wait3A_77] : memref<4096x4x1024xf32, #tpu.memory_space<hbm>> -> memref<4x4x1024xf32, #tpu.memory_space<hbm>>
    %dma_wait3A_79 = arith.constant 0 : i32
    %dma_wait3A_80 = arith.constant 0 : i32
    %dma_wait3A_81 = tpu.memref_slice %arg5[%add3A_76, %dma_wait3A_79, %dma_wait3A_80] : memref<4096x4x1024xf32, #tpu.memory_space<hbm>> -> memref<4x4x1024xf32, #tpu.memory_space<hbm>>
    tpu.wait_dma2 semaphore(%arg25 : memref<!tpu.dma_semaphore, #tpu.memory_space<semaphore_mem>>) src(%arg11 : memref<4x4x1024xf32, #tpu.memory_space<vmem>>) dst(%dma_wait3A_81 : memref<4x4x1024xf32, #tpu.memory_space<hbm>>)
    %add3A_82 = arith.constant 124 : i32
    %add3A_83 = arith.addi %select_n3A, %add3A_82 : i32
    %dma_wait3A_84 = arith.constant 0 : i32
    %dma_wait3A_85 = arith.constant 0 : i32
    %dma_wait3A_86 = tpu.memref_slice %arg5[%add3A_83, %dma_wait3A_84, %dma_wait3A_85] : memref<4096x4x1024xf32, #tpu.memory_space<hbm>> -> memref<4x4x1024xf32, #tpu.memory_space<hbm>>
    %dma_wait3A_87 = arith.constant 0 : i32
    %dma_wait3A_88 = arith.constant 0 : i32
    %dma_wait3A_89 = tpu.memref_slice %arg5[%add3A_83, %dma_wait3A_87, %dma_wait3A_88] : memref<4096x4x1024xf32, #tpu.memory_space<hbm>> -> memref<4x4x1024xf32, #tpu.memory_space<hbm>>
    tpu.wait_dma2 semaphore(%arg26 : memref<!tpu.dma_semaphore, #tpu.memory_space<semaphore_mem>>) src(%arg12 : memref<4x4x1024xf32, #tpu.memory_space<vmem>>) dst(%dma_wait3A_89 : memref<4x4x1024xf32, #tpu.memory_space<hbm>>)
    return
  }
}

</mosaic_0001>

<sc_bundles>
// kernel: kernel.3.cloned.1.call-start
scs
__scs_entry_jumppad:
0x0: {  	(pc) =	sbr.rel $0x88, $3  }
0x1: {  	(tag) =	ssettag $0x0;
	lr =	simm.s32 $0x1  }
0x2: {  	[smem:$0x3F9E] =	sst lr;
	_ =	strace $0xD0000000  }
0x3: {  	_ = 	snop  }
0x4: {  	_ = 	snop  }
0x5: {  	_ = 	snop  }
0x6: {  	_ = 	snop  }
0x7: {  	_ = 	snop  }
__scs_overlays_trampoline_lowered:
0x8: {  	[smem:$0x3FAD] =	sst s0  }
0x9: {  	[smem:$0x3FAE] =	sst s1  }
0xa: {  	[smem:$0x3FAF] =	sst s2  }
0xb: {  	[smem:$0x3FB0] =	sst s3  }
0xc: {  	[smem:$0x3FB1] =	sst s4  }
0xd: {  	[smem:$0x3FB2] =	sst s5  }
0xe: {  	[smem:$0x3FB3] =	sst s6  }
0xf: {  	[smem:$0x3FB4] =	sst s7  }
0x10: {  	[smem:$0x3FB5] =	sst s8  }
0x11: {  	[smem:$0x3FB6] =	sst s9;
	s0 =	simm.s32 @!p0 $0x0  }
0x12: {  	s1 =	sld [smem:$0x3F9C];
	s0 =	simm.s32 @p0 $0x1  }
0x13: {  	[smem:$0x3FB7] =	sst s0;
	s0 =	simm.s32 @!p1 $0x0  }
0x14: {  	s2 =	sld [smem:$0x3F9B];
	s0 =	simm.s32 @p1 $0x1  }
0x15: {  	[smem:$0x3FB8] =	sst s0;
	s0 =	simm.s32 @!p2 $0x0  }
0x16: {  	s3 =	sld [smem:$0x3FDB];
	s0 =	simm.s32 @p2 $0x1  }
0x17: {  	s4 =	simm.s32 $0x1BF5;
	[smem:$0x3FBA] =	sst s0  }
0x18: {  	s0 =	sld [smem:$0x3F9D];
	_ =	swait.ge [sflag:s4], $0x0  }
0x19: {  	s7 =	sld [smem:$0x3F9E]  }
0x1a: {  	s8 =	sadd.s32 $0xFFFFE003, lr  }
0x1b: {  	s9 =	sadd.s32 $0xFFFFFEF7, lr;
	s5 =	simm.s32 $0xFFFFFFFF;
	p2 =	slt.u32 s8, $0xFFFFF086  }
0x1c: {  	p1 =	slt.u32 s9, $0xF7A;
	s5 =	simm.s32 @!p2 $0x0  }
0x1d: {  	s5 =	simm.s32 @p1 $0x1;
	p0 =	seq.s32 s7, s2  }
0x1e: {  	s7 =	smul.u32 @!p0 $0xF7A, s2;
	p2 =	seq.s32 @!p0 s5, $0x0  }
0x1f: {  	s9 =	smul.u32 $0xF7A, s1;
	s8 =	simm.s32 @!p0 $0x1BF5;
	p2 =	por !p2, p0  }
0x20: {  	[sflag:s8] =	ssyncset.s32 @!p0 $0xFFFFF086;
	s6 =	sadd.s32 @!p0 s3, s7;
	s7 =	simm.s32 @!p0 $0x108  }
0x21: {  	s3 =	sadd.s32 s3, s9;
	s6 =	sadd.s32 @!p0 $0x88, s6;
	s7 =	simm.s32 @p2 $0x1082  }
0x22: {  	[simem:s7], [sflag:s8] =	dma.local @!p0 [hbm:s6], $0xF7A  }
0x23: {  	s9 =	sor.u32 $0xD0000000, s2;
	s6 =	simm.s32 $0x108;
	_ =	swait.ge @!p0 [sflag:s8], $0x0  }
0x24: {  	s3 =	sadd.s32 $0x88, s3;
	s6 =	simm.s32 @!p1 $0x1082;
	[sflag:s4] =	ssyncset.s32 $0xFFFFF086  }
0x25: {  	[simem:s6], [sflag:s4] =	dma.local [hbm:s3], $0xF7A  }
0x26: {  	[smem:$0x3F9E] =	sst s1;
	(tag) =	ssettag s2;
	_ =	strace s9  }
0x27: {  	s1 =	sld [smem:$0x3FAE]  }
0x28: {  	s2 =	sld [smem:$0x3FAF]  }
0x29: {  	s4 =	sld [smem:$0x3FB1]  }
0x2a: {  	p0 =	seq.s32 s5, $0x0;
	s5 =	sld [smem:$0x3FB2]  }
0x2b: {  	s6 =	sld [smem:$0x3FB3]  }
0x2c: {  	s7 =	sld [smem:$0x3FB4]  }
0x2d: {  	s3 =	simm.s32 $0x108;
	s8 =	sld [smem:$0x3FB5]  }
0x2e: {  	s3 =	simm.s32 @!p0 $0x1082;
	s9 =	sld [smem:$0x3FB6]  }
0x2f: {  	lr =	sadd.s32 s0, s3;
	s0 =	sld [smem:$0x3FAD]  }
0x30: {  	s3 =	sld [smem:$0x3FB0]  }
0x31: {  	[smem:$0x3FB9] =	sst s10  }
0x32: {  	s10 =	sld [smem:$0x3FB7];
	_ =	sdelay $0x3  }
0x33: {  	p0 =	seq.s32 s10, $0x1;
	s10 =	sld [smem:$0x3FB9];
	_ =	sdelay $0x3  }
0x34: {  	[smem:$0x3FB9] =	sst s10  }
0x35: {  	s10 =	sld [smem:$0x3FB8];
	_ =	sdelay $0x3  }
0x36: {  	p1 =	seq.s32 s10, $0x1;
	s10 =	sld [smem:$0x3FB9];
	_ =	sdelay $0x3  }
0x37: {  	[smem:$0x3FB9] =	sst s10  }
0x38: {  	s10 =	sld [smem:$0x3FBA]  }
0x39: {  	_ = 	snop;
	(pc) =	sbr.ind lr, $3  }
0x3a: {  	_ = 	snop  }
0x3b: {  	_ = 	snop  }
0x3c: {  	p2 =	seq.s32 s10, $0x1;
	s10 =	sld [smem:$0x3FB9]  }
0x3d: {  	_ =	shalt  }
0x3e: {  	_ =	shalt  }
0x3f: {  	_ =	shalt  }
0x40: {  	_ =	shalt  }
0x41: {  	_ =	shalt  }
0x42: {  	_ =	shalt  }
0x43: {  	_ =	shalt  }
0x44: {  	_ =	shalt  }
0x45: {  	_ =	shalt  }
0x46: {  	_ =	shalt  }
0x47: {  	_ =	shalt  }
0x48: {  	_ =	shalt  }
0x49: {  	_ =	shalt  }
0x4a: {  	_ =	shalt  }
0x4b: {  	_ =	shalt  }
0x4c: {  	_ =	shalt  }
0x4d: {  	_ =	shalt  }
0x4e: {  	_ =	shalt  }
0x4f: {  	_ =	shalt  }
0x50: {  	_ =	shalt  }
0x51: {  	_ =	shalt  }
0x52: {  	_ =	shalt  }
0x53: {  	_ =	shalt  }
0x54: {  	_ =	shalt  }
0x55: {  	_ =	shalt  }
0x56: {  	_ =	shalt  }
0x57: {  	_ =	shalt  }
0x58: {  	_ =	shalt  }
0x59: {  	_ =	shalt  }
0x5a: {  	_ =	shalt  }
0x5b: {  	_ =	shalt  }
0x5c: {  	_ =	shalt  }
0x5d: {  	_ =	shalt  }
0x5e: {  	_ =	shalt  }
0x5f: {  	_ =	shalt  }
0x60: {  	_ =	shalt  }
0x61: {  	_ =	shalt  }
0x62: {  	_ =	shalt  }
0x63: {  	_ =	shalt  }
0x64: {  	_ =	shalt  }
0x65: {  	_ =	shalt  }
0x66: {  	_ =	shalt  }
0x67: {  	_ =	shalt  }
0x68: {  	_ =	shalt  }
0x69: {  	_ =	shalt  }
0x6a: {  	_ =	shalt  }
0x6b: {  	_ =	shalt  }
0x6c: {  	_ =	shalt  }
0x6d: {  	_ =	shalt  }
0x6e: {  	_ =	shalt  }
0x6f: {  	_ =	shalt  }
0x70: {  	_ =	shalt  }
0x71: {  	_ =	shalt  }
0x72: {  	_ =	shalt  }
0x73: {  	_ =	shalt  }
0x74: {  	_ =	shalt  }
0x75: {  	_ =	shalt  }
0x76: {  	_ =	shalt  }
0x77: {  	_ =	shalt  }
0x78: {  	_ =	shalt  }
0x79: {  	_ =	shalt  }
0x7a: {  	_ =	shalt  }
0x7b: {  	_ =	shalt  }
0x7c: {  	_ =	shalt  }
0x7d: {  	_ =	shalt  }
0x7e: {  	_ =	shalt  }
0x7f: {  	_ =	shalt  }
0x80: {  	_ =	shalt  }
0x81: {  	_ =	shalt  }
0x82: {  	_ =	shalt  }
0x83: {  	_ =	shalt  }
0x84: {  	_ =	shalt  }
0x85: {  	_ =	shalt  }
0x86: {  	_ =	shalt  }
0x87: {  	_ =	shalt  }
.Lfunc_end0:
.L_simem_size_0:
called_computation_lowered:
.L_overlay_start_0:
0x88: {  	s2 =	sld [smem:$0x3FD9]  }
0x89: {  	s3 =	sld [smem:$0x3FFE];
	_ =	sdelay $0x1  }
0x8a: {  	s1 =	srdreg.scid  }
0x8b: {  	s0 =	sand.u32 $0x1, s1  }
0x8c: {  	s17 =	sshll.u32 s0, $0xA;
	s2 =	sadd.s32 s3, s2  }
0x8d: {  	s2 =	sadd.s32 s2, s17  }
0x8e: {  	[smem:$0x3FC5] =	sst s2  }
0x8f: {  	_ = 	snop  }
0x90: {  	s2 =	sld [smem:$0x3FC8]  }
0x91: {  	s18 =	sld [smem:$0x3FC7]  }
0x92: {  	s4 =	sld [smem:$0x3FD0];
	(tm) =	ssettm $0x1  }
0x93: {  	s5 =	sld [smem:$0x3FFB];
	_ =	sdelay $0x3  }
0x94: {  	_ =	strace s5  }
0x95: {  	s5 =	sld [smem:$0x3FFC];
	_ =	sdelay $0x3  }
0x96: {  	_ =	strace s5  }
0x97: {  	s5 =	sld [smem:$0x3FFD];
	_ =	sdelay $0x3  }
0x98: {  	_ =	strace s5  }
0x99: {  	_ =	strace $0x8FFFFFFF  }
0x9a: {  	s19 =	sld [smem:$0x3FDB];
	_ =	sdelay $0x1  }
0x9b: {  	s6 =	simm.s32 $_scs_section_size  }
0x9c: {  	s7 =	simm.s32 $_size__tile_overlayer_lowered;
	s8 =	simm.s32 $_tile_overlayer_lowered  }
0x9d: {  	s22 =	simm.s32 $0x1BFF;
	s21 =	sshll.u32 s8, $0x1;
	s5 =	sadd.s32 s6, s19  }
0x9e: {  	s9 =	simm.s32 $0x0;
	s20 =	sshll.u32 s7, $0x1;
	s7 =	sadd.s32 s21, s5  }
0x9f: {  	[timem:s9], [sflag:s22] =	dma.local [hbm:s7], s20  }
0xa0: {  	_ =	swait.ge [sflag:s22], s20  }
0xa1: {  	s6 =	ssub.s32 $0x0, s20;
	[sflag:s22] =	ssyncset.done $0x0  }
0xa2: {  	[sflag:s22] =	ssyncadd.s32 s6;
	_ =	sdelay $0x1  }
0xa3: {  	s23 =	simm.s32 $0x1B8B  }
0xa4: {  	_ =	swait.ge [sflag:s23], $0x1  }
0xa5: {  	[sflag:s23] =	ssyncset.done $0x0  }
0xa6: {  	s25 =	simm.s32 $0x1B8E;
	s24 =	sld [smem:$0x3FFE];
	[sflag:s23] =	ssyncadd.s32 $0xFFFFFFFF  }
0xa7: {  	s26 =	simm.s32 $execute0_lowered;
	[smem:$0x3FD2] =	sst s25  }
0xa8: {  	s7 =	sshll.u32 s26, $0x1;
	_ =	strace $0x80000046;
	[dreg:$0x1] =	wrdreg $0xFFFFFFFF  }
0xa9: {  	s28 =	simm.s32 $_size_execute0_lowered;
	s5 =	sadd.s32 s5, s7;
	[dreg:$0x0] =	wrdreg $0x0  }
0xaa: {  	s7 =	sshll.u32 s28, $0x1;
	[dreg:$0x2] =	wrdreg s5  }
0xab: {  	[dreg:$0x3] =	wrdreg s7  }
0xac: {  	[dreg:$0x4] =	wrdreg $0xC0  }
0xad: {  	_ =	task [dreg:s9], $0x5FFFF  }
0xae: {  	[dreg:$0x1] =	wrdreg $0xFFFFFFFF  }
0xaf: {  	[dreg:$0x0] =	wrdreg $0x60  }
0xb0: {  	[dreg:$0x2] =	wrdreg s24  }
0xb1: {  	[dreg:$0x3] =	wrdreg s2  }
0xb2: {  	[dreg:$0x4] =	wrdreg s18  }
0xb3: {  	[dreg:$0x5] =	wrdreg s4  }
0xb4: {  	[dreg:$0x6] =	wrdreg $0x9  }
0xb5: {  	_ =	task.clear_ibuf [dreg:s9], $0x7FFFF;
	_ =	strace $0x90000046  }
0xb6: {  	s29 =	simm.s32 $0x9;
	_ =	strace $0x80000048  }
0xb7: {  	_ =	swait.ge [sflag:s29], $0x1  }
0xb8: {  	[sflag:s29] =	ssyncadd.s32 $0xFFFFFFFF  }
0xb9: {  	_ =	strace $0x90000048  }
0xba: {  	_ =	sfence  }
0xbb: {  	s30 =	sld [smem:$0x0];
	_ =	sdelay $0x2  }
0xbc: {  	s31 =	sshll.u32 s1, $0xD;
	s1 =	sshrl.u32 s1, $0x2  }
0xbd: {  	s3 =	sand.u32 $0x4000, s31;
	s1 =	sadd.s32 s1, s30  }
0xbe: {  	s0 =	sor.u32 s3, s0;
	s1 =	sshll.u32 s1, $0x11  }
0xbf: {  	s0 =	sor.u32 s1, s0  }
0xc0: {  	s0 =	sadd.s32 $0x8F2B, s0  }
0xc1: {  	[sflag:s0] =	ssyncadd.remote.s32 $0x1  }
0xc2: {  	_ =	sfence.sel $0xFFFF  }
0xc3: {  	[dreg:$0x0] =	wrdreg $0xFFFFFFFF;
	(pc) =	sbr.abs _section_cstart, $3  }
0xc4: {  	[dreg:$0x1] =	wrdreg $0xFFFFFFFF  }
0xc5: {  	_ =	task.clear_ibuf [dreg:s9], $0x2FFFF;
	_ =	strace $0x9FFFFFFF  }
0xc6: {  	(tm) =	ssettm $0x7FFFFFFF  }
0xc7: {  	_ =	shalt  }
tec
execute0_lowered:
.L_overlay_start_1:
0x0: {  	(tag) =	ssettag $0x1  }
0x1: {  	s0 =	rddreg [dreg:$0x0]  }
0x2: {  	s2 =	rddreg [dreg:$0x1]  }
0x3: {  	s1 =	rddreg [dreg:$0x2];
	s4 =	srdreg.scid  }
0x4: {  	s26 =	rddreg [dreg:$0x3];
	s3 =	stileid.u32  }
0x5: {  	s28 =	simm.s32 $0x3;
	s12 =	simm.s32 $0x4;
	s13 =	simm.s32 $0x8  }
0x6: {  	s15 =	simm.s32 $0xA;
	s5 =	sand.u32 $0x1, s4;
	s6 =	sshll.u32 s3, $0xA  }
0x7: {  	s4 =	simm.s32 $0x0;
	s10 =	sadd.s32 $0x300, s2;
	s7 =	sshll.u32 s5, $0x9  }
0x8: {  	s5 =	ssub.s32 $0x2, s5;
	[smem:$0x7FF] =	sst s4;
	s6 =	sor.u32 s7, s6  }
0x9: {  	s8 =	sshrl.u32 s5, $0x1;
	_ =	strace $0x80000047;
	s7 =	sshrl.u32 s6, $0x3  }
0xa: {  	s11 =	ssub.s32 s5, s8;
	s24 =	sshrl.u32 s6, $0x2;
	s25 =	sshll.u32 s6, $0x5  }
0xb: {  	s8 =	sadd.s32 $0x200, s2;
	s29 =	sshll.u32 s6, $0x7;
	s6 =	simm.s32 $0x7  }
0xc: {  	s0 =	sadd.s32 s7, s0;
	[dreg:$0x5] =	wrdreg s24;
	s31 =	smax.u32 s11, $0x1  }
0xd: {  	s9 =	sadd.s32 s1, s25;
	s0 =	sadd.s32 $0x400, s0;
	[dreg:$0xb] =	wrdreg s31  }
.Ltmp0:
0xe: {  	s1 =	sadd.s32 $0x400, s9;
	[dreg:$0x6] =	wrdreg s0;
	(pc) =	sbr.rel .LBB2_1-.Ltmp0, $4  }
0xf: {  	s7 =	sadd.s32 $0x100, s2;
	s30 =	sadd.s32 $0x600, s9;
	[dreg:$0x8] =	wrdreg s1  }
0x10: {  	v2 =	vlaneseq.u32;
	s24 =	simm.s32 $0x2;
	s0 =	sadd.s32 $0x200, s9;
	[dreg:$0x9] =	wrdreg s30  }
0x11: {  	vm0 =	vmmov $0xffff;
	v1 =	vshrl.u32 v2, $0x3;
	s25 =	simm.s32 $0x6;
	[dreg:$0x7] =	wrdreg s0;
	s0 =	sadd.s32 s26, s29  }
0x12: {  	v0 =	vand.u32 $0x7, v2;
	v2 =	vor.u32 $0x8, v2;
	v1 =	vmul.u32 $0x8, v1;
	s11 =	simm.s32 $0x9;
	s1 =	simm.s32 $0x0;
	[dreg:$0xa] =	wrdreg s0  }
.LBB2_12:
0x13: {  	_ =	swait.ge [sflag:s11], $0x4000  }
0x14: {  	[sflag:s11] =	ssyncset.done $0x0  }
0x15: {  	[sflag:s11] =	ssyncadd.s32 $0xFFFFC000  }
0x16: {  	_ =	swait.ge [sflag:s15], $0x4000  }
0x17: {  	s1 =	rddreg [dreg:$0xc]  }
0x18: {  	s0 =	rddreg [dreg:$0xb];
	s1 =	sadd.s32 $0x1, s1  }
0x19: {  	p0 =	sne.s32 s1, s0  }
.Ltmp1:
0x1a: {  	_ = 	snop;
	(pc) =	sbr.rel @!p0 .LBB2_13-.Ltmp1, $3  }
0x1b: {  	_ =	sdelay $0x1  }
0x1c: {  	[sflag:s15] =	ssyncset.done $0x0  }
0x1d: {  	[sflag:s15] =	ssyncadd.s32 $0xFFFFC000  }
.LBB2_1:
0x1e: {  	[dreg:$0xc] =	wrdreg s1  }
0x1f: {  	s0 =	rddreg [dreg:$0x6];
	s17 =	simm.s32 $0xB  }
0x20: {  	[tilespmem:s4], [sflag:$0xB] =	stream.linear.gather [hbm4b:s0+s4], $0x200, $0x38;
	[tilespmem:$0x1C200] =	vst v63  }
0x21: {  	_ =	swait.ge [sflag:s17], $0x200  }
0x22: {  	[sflag:s17] =	ssyncset.done $0x0  }
0x23: {  	[sflag:s17] =	ssyncadd.s32 $0xFFFFFE00  }
0x24: {  	v3 =	vld [tilespmem:$0x0];
	_ =	sdelay $0x4  }
0x25: {  	v4 =	vshll.u32 v3, $0x3  }
0x26: {  	v3 =	vand.u32 $0x7, v3;
	v4 =	vand.u32 $0xFFFFFFC0, v4  }
0x27: {  	v3 =	vor.u32 v3, v4  }
0x28: {  	v4 =	vperm.xlane v3, v0;
	_ =	sdelay $0x1  }
0x29: {  	v4 =	vadd.s32 v1, v4;
	_ =	sdelay $0x3  }
0x2a: {  	s18 =	simm.s32 $0x200  }
0x2b: {  	[tilespmem:s18], [sflag:$0x1] =	stream.indirect_vreg.gather [hbm4b:s2+s4], $0x80, v4, vm0, $0xb8;
	[tilespmem:$0x1C200] =	vst v63  }
0x2c: {  	s19 =	simm.s32 $0xA00;
	v3 =	vperm.xlane v3, v2  }
0x2d: {  	[tilespmem:s19], [sflag:$0x1] =	stream.indirect_vreg.gather [hbm4b:s7+s4], $0x80, v4, vm0, $0xb8;
	[tilespmem:$0x1C200] =	vst v63  }
0x2e: {  	s20 =	simm.s32 $0x1200;
	v3 =	vadd.s32 v1, v3  }
0x2f: {  	[tilespmem:s20], [sflag:$0x1] =	stream.indirect_vreg.gather [hbm4b:s8+s4], $0x80, v4, vm0, $0xb8;
	[tilespmem:$0x1C200] =	vst v63  }
0x30: {  	s21 =	simm.s32 $0x1A00  }
0x31: {  	[tilespmem:s21], [sflag:$0x1] =	stream.indirect_vreg.gather [hbm4b:s10+s4], $0x80, v4, vm0, $0xb8;
	[tilespmem:$0x1C200] =	vst v63  }
0x32: {  	s22 =	simm.s32 $0x2200  }
0x33: {  	[tilespmem:s22], [sflag:$0x1] =	stream.indirect_vreg.gather [hbm4b:s2+s4], $0x80, v3, vm0, $0xb8;
	[tilespmem:$0x1C200] =	vst v63  }
0x34: {  	s23 =	simm.s32 $0x2A00  }
0x35: {  	[tilespmem:s23], [sflag:$0x1] =	stream.indirect_vreg.gather [hbm4b:s7+s4], $0x80, v3, vm0, $0xb8;
	[tilespmem:$0x1C200] =	vst v63  }
0x36: {  	s29 =	simm.s32 $0x3200  }
0x37: {  	[tilespmem:s29], [sflag:$0x1] =	stream.indirect_vreg.gather [hbm4b:s8+s4], $0x80, v3, vm0, $0xb8;
	[tilespmem:$0x1C200] =	vst v63  }
0x38: {  	s30 =	simm.s32 $0x3A00  }
0x39: {  	[tilespmem:s30], [sflag:$0x1] =	stream.indirect_vreg.gather [hbm4b:s10+s4], $0x80, v3, vm0, $0xb8;
	[tilespmem:$0x1C200] =	vst v63  }
0x3a: {  	s31 =	simm.s32 $0x18200  }
0x3b: {  	[tilespmem:s31], [sflag:$0x5] =	stream.linear.gather [hbm4b:s9+s4], $0x1000, $0x38;
	[tilespmem:$0x1C200] =	vst v63  }
0x3c: {  	v3 =	vld [tilespmem:$0x10];
	_ =	sdelay $0x4  }
0x3d: {  	v61 =	vshll.u32 v3, $0x3  }
0x3e: {  	v3 =	vand.u32 $0x7, v3;
	v4 =	vand.u32 $0xFFFFFFC0, v61  }
0x3f: {  	v3 =	vor.u32 v3, v4  }
0x40: {  	v4 =	vperm.xlane v3, v0;
	_ =	sdelay $0x1  }
0x41: {  	v4 =	vadd.s32 v1, v4;
	_ =	sdelay $0x3  }
0x42: {  	s1 =	simm.s32 $0x4200  }
0x43: {  	[tilespmem:s1], [sflag:$0x2] =	stream.indirect_vreg.gather [hbm4b:s2+s4], $0x80, v4, vm0, $0xb8;
	[tilespmem:$0x1C200] =	vst v63  }
0x44: {  	s3 =	simm.s32 $0x4A00;
	v3 =	vperm.xlane v3, v2  }
0x45: {  	[tilespmem:s3], [sflag:$0x2] =	stream.indirect_vreg.gather [hbm4b:s7+s4], $0x80, v4, vm0, $0xb8;
	[tilespmem:$0x1C200] =	vst v63  }
0x46: {  	s5 =	simm.s32 $0x5200;
	v3 =	vadd.s32 v1, v3  }
0x47: {  	[tilespmem:s5], [sflag:$0x2] =	stream.indirect_vreg.gather [hbm4b:s8+s4], $0x80, v4, vm0, $0xb8;
	[tilespmem:$0x1C200] =	vst v63  }
0x48: {  	s14 =	simm.s32 $0x5A00  }
0x49: {  	[tilespmem:s14], [sflag:$0x2] =	stream.indirect_vreg.gather [hbm4b:s10+s4], $0x80, v4, vm0, $0xb8;
	[tilespmem:$0x1C200] =	vst v63  }
0x4a: {  	s16 =	simm.s32 $0x6200  }
0x4b: {  	[tilespmem:s16], [sflag:$0x2] =	stream.indirect_vreg.gather [hbm4b:s2+s4], $0x80, v3, vm0, $0xb8;
	[tilespmem:$0x1C200] =	vst v63  }
0x4c: {  	s17 =	simm.s32 $0x6A00  }
0x4d: {  	[tilespmem:s17], [sflag:$0x2] =	stream.indirect_vreg.gather [hbm4b:s7+s4], $0x80, v3, vm0, $0xb8;
	[tilespmem:$0x1C200] =	vst v63  }
0x4e: {  	s18 =	simm.s32 $0x7200  }
0x4f: {  	[tilespmem:s18], [sflag:$0x2] =	stream.indirect_vreg.gather [hbm4b:s8+s4], $0x80, v3, vm0, $0xb8;
	[tilespmem:$0x1C200] =	vst v63  }
0x50: {  	s19 =	simm.s32 $0x7A00  }
0x51: {  	[tilespmem:s19], [sflag:$0x2] =	stream.indirect_vreg.gather [hbm4b:s10+s4], $0x80, v3, vm0, $0xb8;
	[tilespmem:$0x1C200] =	vst v63  }
0x52: {  	s20 =	rddreg [dreg:$0x7];
	s21 =	simm.s32 $0x19200  }
0x53: {  	[tilespmem:s21], [sflag:$0x6] =	stream.linear.gather [hbm4b:s20+s4], $0x1000, $0x38;
	[tilespmem:$0x1C200] =	vst v63  }
0x54: {  	v3 =	vld [tilespmem:$0x20];
	_ =	sdelay $0x4  }
0x55: {  	v62 =	vshll.u32 v3, $0x3  }
0x56: {  	v3 =	vand.u32 $0x7, v3;
	v4 =	vand.u32 $0xFFFFFFC0, v62  }
0x57: {  	v3 =	vor.u32 v3, v4  }
0x58: {  	v4 =	vperm.xlane v3, v0;
	_ =	sdelay $0x1  }
0x59: {  	v4 =	vadd.s32 v1, v4;
	_ =	sdelay $0x3  }
0x5a: {  	s22 =	simm.s32 $0x8200  }
0x5b: {  	[tilespmem:s22], [sflag:$0x3] =	stream.indirect_vreg.gather [hbm4b:s2+s4], $0x80, v4, vm0, $0xb8;
	[tilespmem:$0x1C200] =	vst v63  }
0x5c: {  	s23 =	simm.s32 $0x8A00;
	v3 =	vperm.xlane v3, v2  }
0x5d: {  	[tilespmem:s23], [sflag:$0x3] =	stream.indirect_vreg.gather [hbm4b:s7+s4], $0x80, v4, vm0, $0xb8;
	[tilespmem:$0x1C200] =	vst v63  }
0x5e: {  	s29 =	simm.s32 $0x9200;
	v3 =	vadd.s32 v1, v3  }
0x5f: {  	[tilespmem:s29], [sflag:$0x3] =	stream.indirect_vreg.gather [hbm4b:s8+s4], $0x80, v4, vm0, $0xb8;
	[tilespmem:$0x1C200] =	vst v63  }
0x60: {  	s30 =	simm.s32 $0x9A00  }
0x61: {  	[tilespmem:s30], [sflag:$0x3] =	stream.indirect_vreg.gather [hbm4b:s10+s4], $0x80, v4, vm0, $0xb8;
	[tilespmem:$0x1C200] =	vst v63  }
0x62: {  	s31 =	simm.s32 $0xA200  }
0x63: {  	[tilespmem:s31], [sflag:$0x3] =	stream.indirect_vreg.gather [hbm4b:s2+s4], $0x80, v3, vm0, $0xb8;
	[tilespmem:$0x1C200] =	vst v63  }
0x64: {  	s1 =	simm.s32 $0xAA00  }
0x65: {  	[tilespmem:s1], [sflag:$0x3] =	stream.indirect_vreg.gather [hbm4b:s7+s4], $0x80, v3, vm0, $0xb8;
	[tilespmem:$0x1C200] =	vst v63  }
0x66: {  	s3 =	simm.s32 $0xB200  }
0x67: {  	[tilespmem:s3], [sflag:$0x3] =	stream.indirect_vreg.gather [hbm4b:s8+s4], $0x80, v3, vm0, $0xb8;
	[tilespmem:$0x1C200] =	vst v63  }
0x68: {  	s5 =	simm.s32 $0xBA00  }
0x69: {  	[tilespmem:s5], [sflag:$0x3] =	stream.indirect_vreg.gather [hbm4b:s10+s4], $0x80, v3, vm0, $0xb8;
	[tilespmem:$0x1C200] =	vst v63  }
0x6a: {  	s14 =	rddreg [dreg:$0x8];
	s16 =	simm.s32 $0x1A200  }
0x6b: {  	[tilespmem:s16], [sflag:$0x7] =	stream.linear.gather [hbm4b:s14+s4], $0x1000, $0x38;
	[tilespmem:$0x1C200] =	vst v63  }
0x6c: {  	v3 =	vld [tilespmem:$0x30];
	_ =	sdelay $0x4  }
0x6d: {  	v63 =	vshll.u32 v3, $0x3  }
0x6e: {  	v3 =	vand.u32 $0x7, v3;
	v4 =	vand.u32 $0xFFFFFFC0, v63  }
0x6f: {  	v3 =	vor.u32 v3, v4  }
0x70: {  	v4 =	vperm.xlane v3, v0;
	_ =	sdelay $0x1  }
0x71: {  	v4 =	vadd.s32 v1, v4;
	_ =	sdelay $0x3  }
0x72: {  	s17 =	simm.s32 $0xC200  }
0x73: {  	[tilespmem:s17], [sflag:$0x4] =	stream.indirect_vreg.gather [hbm4b:s2+s4], $0x80, v4, vm0, $0xb8;
	[tilespmem:$0x1C200] =	vst v63  }
0x74: {  	s18 =	simm.s32 $0xCA00;
	v3 =	vperm.xlane v3, v2  }
0x75: {  	[tilespmem:s18], [sflag:$0x4] =	stream.indirect_vreg.gather [hbm4b:s7+s4], $0x80, v4, vm0, $0xb8;
	[tilespmem:$0x1C200] =	vst v63  }
0x76: {  	s19 =	simm.s32 $0xD200;
	v3 =	vadd.s32 v1, v3  }
0x77: {  	[tilespmem:s19], [sflag:$0x4] =	stream.indirect_vreg.gather [hbm4b:s8+s4], $0x80, v4, vm0, $0xb8;
	[tilespmem:$0x1C200] =	vst v63  }
0x78: {  	s20 =	simm.s32 $0xDA00  }
0x79: {  	[tilespmem:s20], [sflag:$0x4] =	stream.indirect_vreg.gather [hbm4b:s10+s4], $0x80, v4, vm0, $0xb8;
	[tilespmem:$0x1C200] =	vst v63  }
0x7a: {  	s21 =	simm.s32 $0xE200  }
0x7b: {  	[tilespmem:s21], [sflag:$0x4] =	stream.indirect_vreg.gather [hbm4b:s2+s4], $0x80, v3, vm0, $0xb8;
	[tilespmem:$0x1C200] =	vst v63  }
0x7c: {  	s22 =	simm.s32 $0xEA00  }
0x7d: {  	[tilespmem:s22], [sflag:$0x4] =	stream.indirect_vreg.gather [hbm4b:s7+s4], $0x80, v3, vm0, $0xb8;
	[tilespmem:$0x1C200] =	vst v63  }
0x7e: {  	s23 =	simm.s32 $0xF200  }
0x7f: {  	[tilespmem:s23], [sflag:$0x4] =	stream.indirect_vreg.gather [hbm4b:s8+s4], $0x80, v3, vm0, $0xb8;
	[tilespmem:$0x1C200] =	vst v63  }
0x80: {  	s29 =	simm.s32 $0xFA00  }
0x81: {  	[tilespmem:s29], [sflag:$0x4] =	stream.indirect_vreg.gather [hbm4b:s10+s4], $0x80, v3, vm0, $0xb8;
	[tilespmem:$0x1C200] =	vst v63  }
0x82: {  	s30 =	rddreg [dreg:$0x9];
	s31 =	simm.s32 $0x1B200;
	s16 =	simm.s32 $0x0  }
0x83: {  	[tilespmem:s31], [sflag:$0x8] =	stream.linear.gather [hbm4b:s30+s4], $0x1000, $0x38;
	[tilespmem:$0x1C200] =	vst v63  }
.LBB2_2:
0x84: {  	s0 =	simm.s32 $0x1  }
0x85: {  	_ =	swait.ge [sflag:s0], $0x4000  }
0x86: {  	[sflag:s0] =	ssyncset.done $0x0  }
0x87: {  	s22 =	smov.u32 s26;
	s20 =	simm.s32 $0x5;
	[sflag:s0] =	ssyncadd.s32 $0xFFFFC000  }
0x88: {  	p1 =	seq.s32 s16, $0x0;
	s30 =	simm.s32 $0x0;
	_ =	swait.ge [sflag:s20], $0x1000  }
0x89: {  	s1 =	simm.s32 $0x0;
	s17 =	simm.s32 $0x0;
	[sflag:s20] =	ssyncset.done $0x0  }
0x8a: {  	s19 =	simm.s32 $0x0;
	s0 =	simm.s32 @!p1 $0x9;
	[sflag:s20] =	ssyncadd.s32 $0xFFFFF000  }
0x8b: {  	s21 =	sand.u32 $0x7, s30;
	s1 =	sand.u32 $0x8, s1;
	_ =	swait.ge @!p1 [sflag:s0], $0x4000  }
0x8c: {  	s18 =	sand.u32 $0x380, s17;
	s1 =	sor.u32 s1, s21;
	[sflag:s0] =	ssyncset.done @!p1 $0x0  }
0x8d: {  	s1 =	sshll.u32 s1, $0xA;
	[sflag:s0] =	ssyncadd.s32 @!p1 $0xFFFFC000;
	s0 =	sshll.u32 s21, $0x9  }
0x8e: {  	s23 =	sand.u32 $0xFFFFFC00, s19;
	s20 =	sor.u32 s18, s1;
	s26 =	sshrl.u32 s0, $0x2  }
0x8f: {  	v3 =	vld [tilespmem:s20+$0x270];
	s1 =	sor.u32 s26, s23  }
0x90: {  	v5 =	vld [tilespmem:s20+$0x200];
	s18 =	sadd.s32 $0x18200, s1  }
0x91: {  	v6 =	vld [tilespmem:s18+$0x70]  }
0x92: {  	v9 =	vld [tilespmem:s20+$0x210]  }
0x93: {  	s31 =	simm.s32 $0x0;
	v11 =	vld [tilespmem:s20+$0x220]  }
0x94: {  	s19 =	sand.u32 $0x3FFFF000, s31;
	v7 =	vld [tilespmem:s20+$0x230];
	v3 =	vmul.f32 $3.200000000e+01, v3  }
0x95: {  	s17 =	sand.u32 $0x180, s17;
	s0 =	sor.u32 s0, s19;
	v8 =	vld [tilespmem:s20+$0x240]  }
0x96: {  	v4 =	vld [tilespmem:s20+$0x250];
	s0 =	sor.u32 s17, s0;
	v12 =	vadd.f32 v6, v3  }
0x97: {  	s17 =	sadd.s32 $0x10200, s0;
	v3 =	vmul.f32 $3.200000000e+01, v5;
	v5 =	vld [tilespmem:s20+$0x260]  }
0x98: {  	s29 =	sshll.u32 s16, $0x2;
	s19 =	simm.s32 $0x0;
	v10 =	vld [tilespmem:s18+$0x10];
	v9 =	vmul.f32 $3.200000000e+01, v9;
	v6 =	vmul.f32 $3.200000000e+01, v11;
	[tilespmem:s17+$0x70] =	vst v12  }
.LBB2_3:
0x99: {  	s19 =	sadd.s32 $0x8, s19;
	v11 =	vld [tilespmem:s18+$0x20];
	v7 =	vmul.f32 $3.200000000e+01, v7  }
0x9a: {  	s30 =	sadd.s32 $0x1, s30;
	s20 =	sshrl.u32 s19, $0x6;
	p0 =	slt.u32 s19, $0x3F8;
	v12 =	vld [tilespmem:s18+$0x30];
	v8 =	vmul.f32 $3.200000000e+01, v8  }
0x9b: {  	s31 =	sand.u32 $0x7, s30;
	s5 =	sshll.u32 s19, $0x4;
	s3 =	sand.u32 $0x8, s20;
	v13 =	vld [tilespmem:s18+$0x40];
	v4 =	vmul.f32 $3.200000000e+01, v4  }
0x9c: {  	s20 =	sshll.u32 s20, $0x7;
	s3 =	sor.u32 s3, s31;
	s31 =	sshll.u32 s31, $0x9;
	v14 =	vld [tilespmem:s18+$0x50];
	v5 =	vmul.f32 $3.200000000e+01, v5  }
0x9d: {  	s23 =	sshra.s32 s5, $0x2;
	s14 =	sand.u32 $0x380, s20;
	s3 =	sshll.u32 s3, $0xA;
	v9 =	vadd.f32 v10, v9;
	v10 =	vld [tilespmem:s18+$0x60]  }
0x9e: {  	s18 =	sshrl.u32 s31, $0x2;
	s3 =	sor.u32 s14, s3;
	s14 =	sand.u32 $0xFFFFFC00, s23;
	v15 =	vld [tilespmem:s1+$0x18200];
	v6 =	vadd.f32 v11, v6  }
0x9f: {  	s1 =	sor.u32 s18, s14;
	v11 =	vld [tilespmem:s3+$0x270];
	[tilespmem:s17+$0x10] =	vst v9;
	v7 =	vadd.f32 v12, v7  }
0xa0: {  	v9 =	vld [tilespmem:s3+$0x200];
	s18 =	sadd.s32 $0x18200, s1;
	[tilespmem:s17+$0x20] =	vst v6;
	v6 =	vadd.f32 v13, v8  }
0xa1: {  	v12 =	vld [tilespmem:s18+$0x70];
	[tilespmem:s17+$0x30] =	vst v7;
	v4 =	vadd.f32 v14, v4  }
0xa2: {  	v13 =	vld [tilespmem:s3+$0x210];
	[tilespmem:s17+$0x40] =	vst v6;
	v5 =	vadd.f32 v10, v5  }
0xa3: {  	v6 =	vld [tilespmem:s3+$0x220];
	v10 =	vadd.f32 v15, v3;
	[tilespmem:s17+$0x50] =	vst v4  }
.Ltmp2:
0xa4: {  	s5 =	sand.u32 $0x3FFFF000, s5;
	v7 =	vld [tilespmem:s3+$0x230];
	v11 =	vmul.f32 $3.200000000e+01, v11;
	[tilespmem:s17+$0x60] =	vst v5;
	(pc) =	sbr.rel @p0 .LBB2_3-.Ltmp2, $4  }
0xa5: {  	s5 =	sor.u32 s31, s5;
	s14 =	sand.u32 $0x180, s20;
	v3 =	vmul.f32 $3.200000000e+01, v9;
	v8 =	vld [tilespmem:s3+$0x240];
	[tilespmem:s0+$0x10200] =	vst v10  }
0xa6: {  	s0 =	sor.u32 s14, s5;
	v4 =	vld [tilespmem:s3+$0x250];
	v11 =	vadd.f32 v12, v11  }
0xa7: {  	s17 =	sadd.s32 $0x10200, s0;
	v9 =	vmul.f32 $3.200000000e+01, v13;
	v5 =	vld [tilespmem:s3+$0x260]  }
0xa8: {  	v10 =	vld [tilespmem:s18+$0x10];
	v6 =	vmul.f32 $3.200000000e+01, v6;
	[tilespmem:s17+$0x70] =	vst v11  }
0xa9: {  	v11 =	vld [tilespmem:s18+$0x20]  }
0xaa: {  	v12 =	vld [tilespmem:s18+$0x30]  }
0xab: {  	v14 =	vld [tilespmem:s18+$0x50]  }
0xac: {  	v15 =	vld [tilespmem:s1+$0x18200]  }
0xad: {  	v13 =	vld [tilespmem:s18+$0x40];
	v7 =	vmul.f32 $3.200000000e+01, v7;
	v9 =	vadd.f32 v10, v9  }
0xae: {  	v4 =	vmul.f32 $3.200000000e+01, v4;
	v10 =	vld [tilespmem:s18+$0x60];
	v6 =	vadd.f32 v11, v6  }
0xaf: {  	v7 =	vadd.f32 v12, v7;
	[tilespmem:s17+$0x10] =	vst v9  }
0xb0: {  	v8 =	vmul.f32 $3.200000000e+01, v8;
	v4 =	vadd.f32 v14, v4;
	[tilespmem:s17+$0x20] =	vst v6  }
0xb1: {  	v5 =	vmul.f32 $3.200000000e+01, v5;
	v3 =	vadd.f32 v15, v3;
	[tilespmem:s17+$0x30] =	vst v7  }
0xb2: {  	v6 =	vadd.f32 v13, v8;
	[tilespmem:s17+$0x50] =	vst v4  }
0xb3: {  	[tilespmem:s0+$0x10200] =	vst v3;
	v5 =	vadd.f32 v10, v5  }
0xb4: {  	[tilespmem:s17+$0x40] =	vst v6  }
0xb5: {  	[tilespmem:s17+$0x60] =	vst v5  }
0xb6: {  	s3 =	sshll.u32 s16, $0xD;
	s0 =	rddreg [dreg:$0xa]  }
0xb7: {  	s5 =	simm.s32 $0x10200;
	p0 =	seq.s32 s16, $0x7;
	s0 =	sadd.s32 s3, s0  }
0xb8: {  	[hbm4b:s0+s4] =	stream.linear.scatter [tilespmem:s5], [sflag:$0x9], $0x4000, $0x38;
	[tilespmem:$0x1C200] =	vst v63  }
0xb9: {  	s0 =	sadd.s32 @!p0 $0x4, s29  }
0xba: {  	s1 =	sshll.u32 @!p0 s0, $0x4  }
0xbb: {  	s1 =	sand.u32 @!p0 $0x3FFFFFF0, s1  }
0xbc: {  	v3 =	vld @!p0 [tilespmem:s1+$0x0];
	_ =	sdelay $0x4  }
0xbd: {  	v4 =	vshll.u32 @!p0 v3, $0x3  }
0xbe: {  	v5 =	vlaneseq.u32 @!p0;
	v3 =	vand.u32 @!p0 $0x7, v3;
	v4 =	vand.u32 @!p0 $0xFFFFFFC0, v4  }
0xbf: {  	v6 =	vshrl.u32 @!p0 v5, $0x3;
	v3 =	vor.u32 @!p0 v3, v4;
	v4 =	vand.u32 @!p0 $0x7, v5  }
0xc0: {  	v6 =	vmul.u32 @!p0 $0x8, v6;
	v4 =	vperm.xlane @!p0 v3, v4;
	_ =	sdelay $0x1  }
0xc1: {  	v4 =	vadd.s32 @!p0 v6, v4;
	_ =	sdelay $0x3  }
0xc2: {  	vm1 =	vmmov @!p0 $0xffff;
	s3 =	simm.s32 @!p0 $0x200;
	s1 =	simm.s32 @!p0 $0x0  }
0xc3: {  	v5 =	vor.u32 @!p0 $0x8, v5;
	[tilespmem:s3], [sflag:$0x1] =	stream.indirect_vreg.gather @!p0 [hbm4b:s2+s1], $0x80, v4, vm1, $0xb8;
	[tilespmem:$0x1C200] =	vst v63  }
0xc4: {  	v3 =	vperm.xlane @!p0 v3, v5;
	s3 =	simm.s32 @!p0 $0xA00  }
0xc5: {  	[tilespmem:s3], [sflag:$0x1] =	stream.indirect_vreg.gather @!p0 [hbm4b:s7+s1], $0x80, v4, vm1, $0xb8;
	[tilespmem:$0x1C200] =	vst v63  }
0xc6: {  	v3 =	vadd.s32 @!p0 v6, v3;
	s3 =	simm.s32 @!p0 $0x1200  }
0xc7: {  	[tilespmem:s3], [sflag:$0x1] =	stream.indirect_vreg.gather @!p0 [hbm4b:s8+s1], $0x80, v4, vm1, $0xb8;
	[tilespmem:$0x1C200] =	vst v63  }
0xc8: {  	s3 =	simm.s32 @!p0 $0x1A00  }
0xc9: {  	[tilespmem:s3], [sflag:$0x1] =	stream.indirect_vreg.gather @!p0 [hbm4b:s10+s1], $0x80, v4, vm1, $0xb8;
	[tilespmem:$0x1C200] =	vst v63  }
0xca: {  	s3 =	simm.s32 @!p0 $0x2200  }
0xcb: {  	[tilespmem:s3], [sflag:$0x1] =	stream.indirect_vreg.gather @!p0 [hbm4b:s2+s1], $0x80, v3, vm1, $0xb8;
	[tilespmem:$0x1C200] =	vst v63  }
0xcc: {  	s3 =	simm.s32 @!p0 $0x2A00  }
0xcd: {  	[tilespmem:s3], [sflag:$0x1] =	stream.indirect_vreg.gather @!p0 [hbm4b:s7+s1], $0x80, v3, vm1, $0xb8;
	[tilespmem:$0x1C200] =	vst v63  }
0xce: {  	s3 =	simm.s32 @!p0 $0x3200  }
0xcf: {  	[tilespmem:s3], [sflag:$0x1] =	stream.indirect_vreg.gather @!p0 [hbm4b:s8+s1], $0x80, v3, vm1, $0xb8;
	[tilespmem:$0x1C200] =	vst v63  }
0xd0: {  	s0 =	sshll.u32 @!p0 s0, $0x9;
	s3 =	simm.s32 @!p0 $0x3A00  }
0xd1: {  	[tilespmem:s3], [sflag:$0x1] =	stream.indirect_vreg.gather @!p0 [hbm4b:s10+s1], $0x80, v3, vm1, $0xb8;
	[tilespmem:$0x1C200] =	vst v63  }
0xd2: {  	s0 =	sadd.s32 @!p0 s0, s9;
	s3 =	simm.s32 @!p0 $0x18200  }
0xd3: {  	[tilespmem:s3], [sflag:$0x5] =	stream.linear.gather @!p0 [hbm4b:s0+s1], $0x1000, $0x38;
	[tilespmem:$0x1C200] =	vst v63  }
0xd4: {  	_ =	swait.ge [sflag:s24], $0x4000  }
0xd5: {  	[sflag:s24] =	ssyncset.done $0x0  }
0xd6: {  	[sflag:s24] =	ssyncadd.s32 $0xFFFFC000  }
0xd7: {  	s31 =	simm.s32 $0x0;
	_ =	swait.ge [sflag:s25], $0x1000  }
0xd8: {  	s14 =	simm.s32 $0x0;
	s18 =	simm.s32 $0x0;
	[sflag:s25] =	ssyncset.done $0x0  }
0xd9: {  	s17 =	sand.u32 $0x7, s31;
	s0 =	simm.s32 @!p1 $0xA;
	[sflag:s25] =	ssyncadd.s32 $0xFFFFF000  }
0xda: {  	s5 =	sand.u32 $0x380, s18;
	s1 =	sand.u32 $0x8, s14;
	_ =	swait.ge @!p1 [sflag:s0], $0x4000  }
0xdb: {  	s14 =	simm.s32 $0x0;
	s1 =	sor.u32 s1, s17;
	[sflag:s0] =	ssyncset.done @!p1 $0x0  }
0xdc: {  	s1 =	sshll.u32 s1, $0xA;
	[sflag:s0] =	ssyncadd.s32 @!p1 $0xFFFFC000;
	s0 =	sshll.u32 s17, $0x9  }
0xdd: {  	s19 =	sand.u32 $0xFFFFFC00, s14;
	s5 =	sor.u32 s5, s1;
	s20 =	sshrl.u32 s0, $0x2  }
0xde: {  	v3 =	vld [tilespmem:s5+$0x4270];
	s1 =	sor.u32 s20, s19  }
0xdf: {  	v6 =	vld [tilespmem:s5+$0x4200];
	s19 =	sadd.s32 $0x19200, s1  }
0xe0: {  	v7 =	vld [tilespmem:s19+$0x70]  }
0xe1: {  	v9 =	vld [tilespmem:s5+$0x4210]  }
0xe2: {  	s21 =	simm.s32 $0x0;
	v11 =	vld [tilespmem:s5+$0x4220]  }
0xe3: {  	s14 =	sand.u32 $0x3FFFF000, s21;
	v4 =	vld [tilespmem:s5+$0x4230];
	v3 =	vmul.f32 $3.200000000e+01, v3  }
0xe4: {  	s3 =	sand.u32 $0x180, s18;
	s0 =	sor.u32 s0, s14;
	v8 =	vld [tilespmem:s5+$0x4240]  }
0xe5: {  	s23 =	sshll.u32 s16, $0x4;
	s26 =	rddreg [dreg:$0x5];
	v5 =	vld [tilespmem:s5+$0x4250];
	s0 =	sor.u32 s3, s0;
	v63 =	vadd.f32 v7, v3  }
0xe6: {  	s30 =	sadd.s32 s23, s26;
	s18 =	sadd.s32 $0x14200, s0;
	v3 =	vmul.f32 $3.200000000e+01, v6;
	v6 =	vld [tilespmem:s5+$0x4260]  }
0xe7: {  	s17 =	sadd.s32 $0x4, s30;
	s20 =	simm.s32 $0x0;
	v10 =	vld [tilespmem:s19+$0x10];
	v9 =	vmul.f32 $3.200000000e+01, v9;
	v7 =	vmul.f32 $3.200000000e+01, v11;
	[tilespmem:s18+$0x70] =	vst v63  }
.LBB2_5:
0xe8: {  	s20 =	sadd.s32 $0x8, s20;
	v11 =	vld [tilespmem:s19+$0x20];
	v4 =	vmul.f32 $3.200000000e+01, v4  }
0xe9: {  	s31 =	sadd.s32 $0x1, s31;
	s3 =	sshrl.u32 s20, $0x6;
	p1 =	slt.u32 s20, $0x3F8;
	v12 =	vld [tilespmem:s19+$0x30];
	v8 =	vmul.f32 $3.200000000e+01, v8  }
0xea: {  	s5 =	sand.u32 $0x7, s31;
	s23 =	sshll.u32 s20, $0x4;
	s14 =	sand.u32 $0x8, s3;
	v13 =	vld [tilespmem:s19+$0x40];
	v5 =	vmul.f32 $3.200000000e+01, v5  }
0xeb: {  	s3 =	sshll.u32 s3, $0x7;
	s14 =	sor.u32 s14, s5;
	s5 =	sshll.u32 s5, $0x9;
	v14 =	vld [tilespmem:s19+$0x50];
	v6 =	vmul.f32 $3.200000000e+01, v6  }
0xec: {  	s21 =	sshra.s32 s23, $0x2;
	s26 =	sand.u32 $0x380, s3;
	s14 =	sshll.u32 s14, $0xA;
	v9 =	vadd.f32 v10, v9;
	v10 =	vld [tilespmem:s19+$0x60]  }
0xed: {  	s19 =	sand.u32 $0xFFFFFC00, s21;
	s21 =	sshrl.u32 s5, $0x2;
	s14 =	sor.u32 s26, s14;
	v15 =	vld [tilespmem:s1+$0x19200];
	v7 =	vadd.f32 v11, v7  }
0xee: {  	s1 =	sor.u32 s21, s19;
	v11 =	vld [tilespmem:s14+$0x4270];
	[tilespmem:s18+$0x10] =	vst v9;
	v4 =	vadd.f32 v12, v4  }
0xef: {  	s19 =	sadd.s32 $0x19200, s1;
	v9 =	vld [tilespmem:s14+$0x4200];
	[tilespmem:s18+$0x20] =	vst v7;
	v7 =	vadd.f32 v13, v8  }
0xf0: {  	v12 =	vld [tilespmem:s19+$0x70];
	[tilespmem:s18+$0x30] =	vst v4;
	v4 =	vadd.f32 v14, v5  }
0xf1: {  	v13 =	vld [tilespmem:s14+$0x4210];
	[tilespmem:s18+$0x40] =	vst v7;
	v5 =	vadd.f32 v10, v6  }
0xf2: {  	v7 =	vld [tilespmem:s14+$0x4220];
	v6 =	vadd.f32 v15, v3;
	[tilespmem:s18+$0x50] =	vst v4  }
.Ltmp3:
0xf3: {  	s21 =	sand.u32 $0x3FFFF000, s23;
	v4 =	vld [tilespmem:s14+$0x4230];
	v10 =	vmul.f32 $3.200000000e+01, v11;
	[tilespmem:s18+$0x60] =	vst v5;
	(pc) =	sbr.rel @p1 .LBB2_5-.Ltmp3, $4  }
0xf4: {  	s3 =	sand.u32 $0x180, s3;
	s5 =	sor.u32 s5, s21;
	v3 =	vmul.f32 $3.200000000e+01, v9;
	v8 =	vld [tilespmem:s14+$0x4240];
	[tilespmem:s0+$0x14200] =	vst v6  }
0xf5: {  	s0 =	sor.u32 s3, s5;
	v5 =	vld [tilespmem:s14+$0x4250];
	v11 =	vadd.f32 v12, v10  }
0xf6: {  	s18 =	sadd.s32 $0x14200, s0;
	v9 =	vmul.f32 $3.200000000e+01, v13;
	v6 =	vld [tilespmem:s14+$0x4260]  }
0xf7: {  	v10 =	vld [tilespmem:s19+$0x10];
	v7 =	vmul.f32 $3.200000000e+01, v7;
	[tilespmem:s18+$0x70] =	vst v11  }
0xf8: {  	v11 =	vld [tilespmem:s19+$0x20]  }
0xf9: {  	v12 =	vld [tilespmem:s19+$0x30]  }
0xfa: {  	v15 =	vld [tilespmem:s1+$0x19200]  }
0xfb: {  	v13 =	vld [tilespmem:s19+$0x40]  }
0xfc: {  	v14 =	vld [tilespmem:s19+$0x50];
	v4 =	vmul.f32 $3.200000000e+01, v4;
	v9 =	vadd.f32 v10, v9  }
0xfd: {  	v10 =	vld [tilespmem:s19+$0x60];
	v7 =	vadd.f32 v11, v7  }
0xfe: {  	v8 =	vmul.f32 $3.200000000e+01, v8;
	v4 =	vadd.f32 v12, v4;
	[tilespmem:s18+$0x10] =	vst v9  }
0xff: {  	v5 =	vmul.f32 $3.200000000e+01, v5;
	v3 =	vadd.f32 v15, v3;
	[tilespmem:s18+$0x20] =	vst v7  }
0x100: {  	v6 =	vmul.f32 $3.200000000e+01, v6;
	v7 =	vadd.f32 v13, v8;
	[tilespmem:s18+$0x30] =	vst v4  }
0x101: {  	v4 =	vadd.f32 v14, v5;
	[tilespmem:s0+$0x14200] =	vst v3  }
0x102: {  	s0 =	sadd.s32 @!p0 $0x5, s29;
	[tilespmem:s18+$0x40] =	vst v7;
	v5 =	vadd.f32 v10, v6  }
0x103: {  	s23 =	sshll.u32 s17, $0x9;
	s26 =	smov.u32 s22;
	s1 =	sshll.u32 @!p0 s0, $0x4;
	[tilespmem:s18+$0x50] =	vst v4  }
0x104: {  	s3 =	sadd.s32 s22, s23;
	s22 =	simm.s32 $0x14200;
	s1 =	sand.u32 @!p0 $0x3FFFFFF0, s1;
	[tilespmem:s18+$0x60] =	vst v5  }
0x105: {  	[hbm4b:s3+s4] =	stream.linear.scatter [tilespmem:s22], [sflag:$0xA], $0x4000, $0x38;
	[tilespmem:$0x1C200] =	vst v63  }
0x106: {  	v3 =	vld @!p0 [tilespmem:s1+$0x0];
	_ =	sdelay $0x4  }
0x107: {  	v4 =	vshll.u32 @!p0 v3, $0x3  }
0x108: {  	v5 =	vlaneseq.u32 @!p0;
	v3 =	vand.u32 @!p0 $0x7, v3;
	v4 =	vand.u32 @!p0 $0xFFFFFFC0, v4  }
0x109: {  	v6 =	vshrl.u32 @!p0 v5, $0x3;
	v3 =	vor.u32 @!p0 v3, v4;
	v4 =	vand.u32 @!p0 $0x7, v5  }
0x10a: {  	v6 =	vmul.u32 @!p0 $0x8, v6;
	v4 =	vperm.xlane @!p0 v3, v4;
	_ =	sdelay $0x1  }
0x10b: {  	v4 =	vadd.s32 @!p0 v6, v4;
	_ =	sdelay $0x3  }
0x10c: {  	s3 =	simm.s32 @!p0 $0x4200;
	s1 =	simm.s32 @!p0 $0x0  }
0x10d: {  	v5 =	vor.u32 @!p0 $0x8, v5;
	[tilespmem:s3], [sflag:$0x2] =	stream.indirect_vreg.gather @!p0 [hbm4b:s2+s1], $0x80, v4, vm1, $0xb8;
	[tilespmem:$0x1C200] =	vst v63  }
0x10e: {  	v3 =	vperm.xlane @!p0 v3, v5;
	s3 =	simm.s32 @!p0 $0x4A00  }
0x10f: {  	[tilespmem:s3], [sflag:$0x2] =	stream.indirect_vreg.gather @!p0 [hbm4b:s7+s1], $0x80, v4, vm1, $0xb8;
	[tilespmem:$0x1C200] =	vst v63  }
0x110: {  	v3 =	vadd.s32 @!p0 v6, v3;
	s3 =	simm.s32 @!p0 $0x5200  }
0x111: {  	[tilespmem:s3], [sflag:$0x2] =	stream.indirect_vreg.gather @!p0 [hbm4b:s8+s1], $0x80, v4, vm1, $0xb8;
	[tilespmem:$0x1C200] =	vst v63  }
0x112: {  	s3 =	simm.s32 @!p0 $0x5A00  }
0x113: {  	[tilespmem:s3], [sflag:$0x2] =	stream.indirect_vreg.gather @!p0 [hbm4b:s10+s1], $0x80, v4, vm1, $0xb8;
	[tilespmem:$0x1C200] =	vst v63  }
0x114: {  	s3 =	simm.s32 @!p0 $0x6200  }
0x115: {  	[tilespmem:s3], [sflag:$0x2] =	stream.indirect_vreg.gather @!p0 [hbm4b:s2+s1], $0x80, v3, vm1, $0xb8;
	[tilespmem:$0x1C200] =	vst v63  }
0x116: {  	s3 =	simm.s32 @!p0 $0x6A00  }
0x117: {  	[tilespmem:s3], [sflag:$0x2] =	stream.indirect_vreg.gather @!p0 [hbm4b:s7+s1], $0x80, v3, vm1, $0xb8;
	[tilespmem:$0x1C200] =	vst v63  }
0x118: {  	s3 =	simm.s32 @!p0 $0x7200  }
0x119: {  	[tilespmem:s3], [sflag:$0x2] =	stream.indirect_vreg.gather @!p0 [hbm4b:s8+s1], $0x80, v3, vm1, $0xb8;
	[tilespmem:$0x1C200] =	vst v63  }
0x11a: {  	s0 =	sshll.u32 @!p0 s0, $0x9;
	s3 =	simm.s32 @!p0 $0x7A00  }
0x11b: {  	[tilespmem:s3], [sflag:$0x2] =	stream.indirect_vreg.gather @!p0 [hbm4b:s10+s1], $0x80, v3, vm1, $0xb8;
	[tilespmem:$0x1C200] =	vst v63  }
0x11c: {  	s0 =	sadd.s32 @!p0 s0, s9;
	s3 =	simm.s32 @!p0 $0x19200  }
0x11d: {  	[tilespmem:s3], [sflag:$0x6] =	stream.linear.gather @!p0 [hbm4b:s0+s1], $0x1000, $0x38;
	[tilespmem:$0x1C200] =	vst v63  }
0x11e: {  	_ =	swait.ge [sflag:s28], $0x4000  }
0x11f: {  	[sflag:s28] =	ssyncset.done $0x0  }
0x120: {  	s31 =	simm.s32 $0x0;
	[sflag:s28] =	ssyncadd.s32 $0xFFFFC000  }
0x121: {  	s5 =	simm.s32 $0x0;
	s17 =	simm.s32 $0x0;
	_ =	swait.ge [sflag:s6], $0x1000  }
0x122: {  	s14 =	sand.u32 $0x7, s31;
	s19 =	sand.u32 $0x380, s17;
	[sflag:s6] =	ssyncset.done $0x0  }
0x123: {  	s0 =	sand.u32 $0x8, s5;
	s5 =	sshll.u32 s14, $0x9;
	[sflag:s6] =	ssyncadd.s32 $0xFFFFF000  }
0x124: {  	s0 =	sor.u32 s0, s14;
	s14 =	simm.s32 $0x0;
	_ =	swait.ge [sflag:s11], $0x4000  }
0x125: {  	s21 =	sshrl.u32 s5, $0x2;
	s0 =	sshll.u32 s0, $0xA;
	[sflag:s11] =	ssyncset.done $0x0  }
0x126: {  	s20 =	sand.u32 $0xFFFFFC00, s14;
	s19 =	sor.u32 s19, s0;
	[sflag:s11] =	ssyncadd.s32 $0xFFFFC000  }
0x127: {  	s1 =	sor.u32 s21, s20;
	v3 =	vld [tilespmem:s19+$0x8270]  }
0x128: {  	s18 =	sadd.s32 $0x1A200, s1;
	v4 =	vld [tilespmem:s19+$0x8200]  }
0x129: {  	v6 =	vld [tilespmem:s18+$0x70]  }
0x12a: {  	v9 =	vld [tilespmem:s19+$0x8210]  }
0x12b: {  	s23 =	simm.s32 $0x0;
	v11 =	vld [tilespmem:s19+$0x8220]  }
0x12c: {  	s0 =	sand.u32 $0x3FFFF000, s23;
	v7 =	vld [tilespmem:s19+$0x8230];
	v3 =	vmul.f32 $3.200000000e+01, v3  }
0x12d: {  	s3 =	sand.u32 $0x180, s17;
	s0 =	sor.u32 s5, s0;
	v8 =	vld [tilespmem:s19+$0x8240]  }
0x12e: {  	s0 =	sor.u32 s3, s0;
	v5 =	vld [tilespmem:s19+$0x8250];
	v63 =	vadd.f32 v6, v3  }
0x12f: {  	s17 =	sadd.s32 $0x10200, s0;
	v9 =	vmul.f32 $3.200000000e+01, v9;
	v6 =	vld [tilespmem:s19+$0x8260]  }
0x130: {  	v10 =	vld [tilespmem:s18+$0x10];
	v3 =	vmul.f32 $3.200000000e+01, v4;
	s19 =	simm.s32 $0x0;
	v4 =	vmul.f32 $3.200000000e+01, v11;
	[tilespmem:s17+$0x70] =	vst v63  }
.LBB2_7:
0x131: {  	s19 =	sadd.s32 $0x8, s19;
	v11 =	vld [tilespmem:s18+$0x20];
	v7 =	vmul.f32 $3.200000000e+01, v7  }
0x132: {  	s31 =	sadd.s32 $0x1, s31;
	s3 =	sshrl.u32 s19, $0x6;
	p1 =	slt.u32 s19, $0x3F8;
	v12 =	vld [tilespmem:s18+$0x30];
	v8 =	vmul.f32 $3.200000000e+01, v8  }
0x133: {  	s5 =	sand.u32 $0x7, s31;
	s20 =	sshll.u32 s19, $0x4;
	s14 =	sand.u32 $0x8, s3;
	v13 =	vld [tilespmem:s18+$0x40];
	v5 =	vmul.f32 $3.200000000e+01, v5  }
0x134: {  	s3 =	sshll.u32 s3, $0x7;
	s14 =	sor.u32 s14, s5;
	s5 =	sshll.u32 s5, $0x9;
	v14 =	vld [tilespmem:s18+$0x50];
	v6 =	vmul.f32 $3.200000000e+01, v6  }
0x135: {  	s23 =	sshra.s32 s20, $0x2;
	s21 =	sand.u32 $0x380, s3;
	s14 =	sshll.u32 s14, $0xA;
	v9 =	vadd.f32 v10, v9;
	v10 =	vld [tilespmem:s18+$0x60]  }
0x136: {  	s18 =	sand.u32 $0xFFFFFC00, s23;
	s14 =	sor.u32 s21, s14;
	s21 =	sshrl.u32 s5, $0x2;
	v15 =	vld [tilespmem:s1+$0x1A200];
	v4 =	vadd.f32 v11, v4  }
0x137: {  	s1 =	sor.u32 s21, s18;
	v11 =	vld [tilespmem:s14+$0x8270];
	[tilespmem:s17+$0x10] =	vst v9;
	v7 =	vadd.f32 v12, v7  }
0x138: {  	v9 =	vld [tilespmem:s14+$0x8200];
	s18 =	sadd.s32 $0x1A200, s1;
	[tilespmem:s17+$0x20] =	vst v4;
	v4 =	vadd.f32 v13, v8  }
0x139: {  	v12 =	vld [tilespmem:s18+$0x70];
	[tilespmem:s17+$0x30] =	vst v7;
	v5 =	vadd.f32 v14, v5  }
0x13a: {  	v13 =	vld [tilespmem:s14+$0x8210];
	[tilespmem:s17+$0x40] =	vst v4;
	v4 =	vadd.f32 v10, v6  }
0x13b: {  	v14 =	vld [tilespmem:s14+$0x8220];
	v6 =	vadd.f32 v15, v3;
	[tilespmem:s17+$0x50] =	vst v5  }
.Ltmp4:
0x13c: {  	s20 =	sand.u32 $0x3FFFF000, s20;
	v7 =	vld [tilespmem:s14+$0x8230];
	v10 =	vmul.f32 $3.200000000e+01, v11;
	[tilespmem:s17+$0x60] =	vst v4;
	(pc) =	sbr.rel @p1 .LBB2_7-.Ltmp4, $4  }
0x13d: {  	s3 =	sand.u32 $0x180, s3;
	s5 =	sor.u32 s5, s20;
	v3 =	vmul.f32 $3.200000000e+01, v9;
	v8 =	vld [tilespmem:s14+$0x8240];
	[tilespmem:s0+$0x10200] =	vst v6  }
0x13e: {  	s0 =	sor.u32 s3, s5;
	v5 =	vld [tilespmem:s14+$0x8250];
	v11 =	vadd.f32 v12, v10  }
0x13f: {  	s17 =	sadd.s32 $0x10200, s0;
	v9 =	vmul.f32 $3.200000000e+01, v13;
	v6 =	vld [tilespmem:s14+$0x8260]  }
0x140: {  	v10 =	vld [tilespmem:s18+$0x10];
	v4 =	vmul.f32 $3.200000000e+01, v14;
	[tilespmem:s17+$0x70] =	vst v11  }
0x141: {  	v11 =	vld [tilespmem:s18+$0x20]  }
0x142: {  	v12 =	vld [tilespmem:s18+$0x30]  }
0x143: {  	v14 =	vld [tilespmem:s18+$0x50]  }
0x144: {  	v13 =	vld [tilespmem:s18+$0x40]  }
0x145: {  	v7 =	vmul.f32 $3.200000000e+01, v7;
	v15 =	vld [tilespmem:s1+$0x1A200];
	v9 =	vadd.f32 v10, v9  }
0x146: {  	v5 =	vmul.f32 $3.200000000e+01, v5;
	v10 =	vld [tilespmem:s18+$0x60];
	v4 =	vadd.f32 v11, v4  }
0x147: {  	v8 =	vmul.f32 $3.200000000e+01, v8;
	v7 =	vadd.f32 v12, v7;
	[tilespmem:s17+$0x10] =	vst v9  }
0x148: {  	v5 =	vadd.f32 v14, v5;
	[tilespmem:s17+$0x20] =	vst v4  }
0x149: {  	v6 =	vmul.f32 $3.200000000e+01, v6;
	v4 =	vadd.f32 v13, v8;
	[tilespmem:s17+$0x30] =	vst v7  }
0x14a: {  	v3 =	vadd.f32 v15, v3;
	[tilespmem:s17+$0x50] =	vst v5  }
0x14b: {  	s23 =	sshll.u32 s30, $0x9;
	[tilespmem:s17+$0x40] =	vst v4;
	v4 =	vadd.f32 v10, v6  }
0x14c: {  	s30 =	sadd.s32 s26, s23;
	[tilespmem:s0+$0x10200] =	vst v3  }
0x14d: {  	s3 =	simm.s32 $0x10200;
	s1 =	sadd.s32 $0x1000, s30;
	s0 =	sadd.s32 @!p0 $0x6, s29;
	[tilespmem:s17+$0x60] =	vst v4  }
0x14e: {  	[hbm4b:s1+s4] =	stream.linear.scatter [tilespmem:s3], [sflag:$0x9], $0x4000, $0x38;
	[tilespmem:$0x1C200] =	vst v63  }
0x14f: {  	s1 =	sshll.u32 @!p0 s0, $0x4  }
0x150: {  	s1 =	sand.u32 @!p0 $0x3FFFFFF0, s1  }
0x151: {  	v3 =	vld @!p0 [tilespmem:s1+$0x0];
	_ =	sdelay $0x4  }
0x152: {  	v4 =	vshll.u32 @!p0 v3, $0x3  }
0x153: {  	v5 =	vlaneseq.u32 @!p0;
	v3 =	vand.u32 @!p0 $0x7, v3;
	v4 =	vand.u32 @!p0 $0xFFFFFFC0, v4  }
0x154: {  	v6 =	vshrl.u32 @!p0 v5, $0x3;
	v3 =	vor.u32 @!p0 v3, v4;
	v4 =	vand.u32 @!p0 $0x7, v5  }
0x155: {  	v6 =	vmul.u32 @!p0 $0x8, v6;
	v4 =	vperm.xlane @!p0 v3, v4;
	_ =	sdelay $0x1  }
0x156: {  	v4 =	vadd.s32 @!p0 v6, v4;
	_ =	sdelay $0x3  }
0x157: {  	s3 =	simm.s32 @!p0 $0x8200;
	s1 =	simm.s32 @!p0 $0x0  }
0x158: {  	v5 =	vor.u32 @!p0 $0x8, v5;
	[tilespmem:s3], [sflag:$0x3] =	stream.indirect_vreg.gather @!p0 [hbm4b:s2+s1], $0x80, v4, vm1, $0xb8;
	[tilespmem:$0x1C200] =	vst v63  }
0x159: {  	v3 =	vperm.xlane @!p0 v3, v5;
	s3 =	simm.s32 @!p0 $0x8A00  }
0x15a: {  	[tilespmem:s3], [sflag:$0x3] =	stream.indirect_vreg.gather @!p0 [hbm4b:s7+s1], $0x80, v4, vm1, $0xb8;
	[tilespmem:$0x1C200] =	vst v63  }
0x15b: {  	v3 =	vadd.s32 @!p0 v6, v3;
	s3 =	simm.s32 @!p0 $0x9200  }
0x15c: {  	[tilespmem:s3], [sflag:$0x3] =	stream.indirect_vreg.gather @!p0 [hbm4b:s8+s1], $0x80, v4, vm1, $0xb8;
	[tilespmem:$0x1C200] =	vst v63  }
0x15d: {  	s3 =	simm.s32 @!p0 $0x9A00  }
0x15e: {  	[tilespmem:s3], [sflag:$0x3] =	stream.indirect_vreg.gather @!p0 [hbm4b:s10+s1], $0x80, v4, vm1, $0xb8;
	[tilespmem:$0x1C200] =	vst v63  }
0x15f: {  	s3 =	simm.s32 @!p0 $0xA200  }
0x160: {  	[tilespmem:s3], [sflag:$0x3] =	stream.indirect_vreg.gather @!p0 [hbm4b:s2+s1], $0x80, v3, vm1, $0xb8;
	[tilespmem:$0x1C200] =	vst v63  }
0x161: {  	s3 =	simm.s32 @!p0 $0xAA00  }
0x162: {  	[tilespmem:s3], [sflag:$0x3] =	stream.indirect_vreg.gather @!p0 [hbm4b:s7+s1], $0x80, v3, vm1, $0xb8;
	[tilespmem:$0x1C200] =	vst v63  }
0x163: {  	s3 =	simm.s32 @!p0 $0xB200  }
0x164: {  	[tilespmem:s3], [sflag:$0x3] =	stream.indirect_vreg.gather @!p0 [hbm4b:s8+s1], $0x80, v3, vm1, $0xb8;
	[tilespmem:$0x1C200] =	vst v63  }
0x165: {  	s0 =	sshll.u32 @!p0 s0, $0x9;
	s3 =	simm.s32 @!p0 $0xBA00  }
0x166: {  	[tilespmem:s3], [sflag:$0x3] =	stream.indirect_vreg.gather @!p0 [hbm4b:s10+s1], $0x80, v3, vm1, $0xb8;
	[tilespmem:$0x1C200] =	vst v63  }
0x167: {  	s0 =	sadd.s32 @!p0 s0, s9;
	s3 =	simm.s32 @!p0 $0x1A200  }
0x168: {  	[tilespmem:s3], [sflag:$0x7] =	stream.linear.gather @!p0 [hbm4b:s0+s1], $0x1000, $0x38;
	[tilespmem:$0x1C200] =	vst v63  }
0x169: {  	_ =	swait.ge [sflag:s12], $0x4000  }
0x16a: {  	[sflag:s12] =	ssyncset.done $0x0  }
0x16b: {  	s31 =	simm.s32 $0x0;
	[sflag:s12] =	ssyncadd.s32 $0xFFFFC000  }
0x16c: {  	s5 =	simm.s32 $0x0;
	s17 =	simm.s32 $0x0;
	_ =	swait.ge [sflag:s13], $0x1000  }
0x16d: {  	s14 =	sand.u32 $0x7, s31;
	s19 =	sand.u32 $0x380, s17;
	[sflag:s13] =	ssyncset.done $0x0  }
0x16e: {  	s0 =	sand.u32 $0x8, s5;
	s5 =	sshll.u32 s14, $0x9;
	[sflag:s13] =	ssyncadd.s32 $0xFFFFF000  }
0x16f: {  	s0 =	sor.u32 s0, s14;
	s14 =	simm.s32 $0x0;
	_ =	swait.ge [sflag:s15], $0x4000  }
0x170: {  	s21 =	sshrl.u32 s5, $0x2;
	s0 =	sshll.u32 s0, $0xA;
	[sflag:s15] =	ssyncset.done $0x0  }
0x171: {  	s20 =	sand.u32 $0xFFFFFC00, s14;
	s19 =	sor.u32 s19, s0;
	[sflag:s15] =	ssyncadd.s32 $0xFFFFC000  }
0x172: {  	s1 =	sor.u32 s21, s20;
	v3 =	vld [tilespmem:s19+$0xC270]  }
0x173: {  	s18 =	sadd.s32 $0x1B200, s1;
	v4 =	vld [tilespmem:s19+$0xC200]  }
0x174: {  	v6 =	vld [tilespmem:s18+$0x70]  }
0x175: {  	v9 =	vld [tilespmem:s19+$0xC210]  }
0x176: {  	s23 =	simm.s32 $0x0;
	v11 =	vld [tilespmem:s19+$0xC220]  }
0x177: {  	s0 =	sand.u32 $0x3FFFF000, s23;
	v7 =	vld [tilespmem:s19+$0xC230];
	v3 =	vmul.f32 $3.200000000e+01, v3  }
0x178: {  	s3 =	sand.u32 $0x180, s17;
	s0 =	sor.u32 s5, s0;
	v8 =	vld [tilespmem:s19+$0xC240]  }
0x179: {  	s0 =	sor.u32 s3, s0;
	v5 =	vld [tilespmem:s19+$0xC250];
	v63 =	vadd.f32 v6, v3  }
0x17a: {  	s17 =	sadd.s32 $0x14200, s0;
	v9 =	vmul.f32 $3.200000000e+01, v9;
	v6 =	vld [tilespmem:s19+$0xC260]  }
0x17b: {  	v10 =	vld [tilespmem:s18+$0x10];
	v3 =	vmul.f32 $3.200000000e+01, v4;
	s19 =	simm.s32 $0x0;
	v4 =	vmul.f32 $3.200000000e+01, v11;
	[tilespmem:s17+$0x70] =	vst v63  }
.LBB2_9:
0x17c: {  	s19 =	sadd.s32 $0x8, s19;
	v11 =	vld [tilespmem:s18+$0x20];
	v7 =	vmul.f32 $3.200000000e+01, v7  }
0x17d: {  	s31 =	sadd.s32 $0x1, s31;
	s3 =	sshrl.u32 s19, $0x6;
	p1 =	slt.u32 s19, $0x3F8;
	v12 =	vld [tilespmem:s18+$0x30];
	v8 =	vmul.f32 $3.200000000e+01, v8  }
0x17e: {  	s5 =	sand.u32 $0x7, s31;
	s20 =	sshll.u32 s19, $0x4;
	s14 =	sand.u32 $0x8, s3;
	v13 =	vld [tilespmem:s18+$0x40];
	v5 =	vmul.f32 $3.200000000e+01, v5  }
0x17f: {  	s3 =	sshll.u32 s3, $0x7;
	s14 =	sor.u32 s14, s5;
	s5 =	sshll.u32 s5, $0x9;
	v14 =	vld [tilespmem:s18+$0x50];
	v6 =	vmul.f32 $3.200000000e+01, v6  }
0x180: {  	s23 =	sshra.s32 s20, $0x2;
	s21 =	sand.u32 $0x380, s3;
	s14 =	sshll.u32 s14, $0xA;
	v9 =	vadd.f32 v10, v9;
	v10 =	vld [tilespmem:s18+$0x60]  }
0x181: {  	s18 =	sand.u32 $0xFFFFFC00, s23;
	s14 =	sor.u32 s21, s14;
	s21 =	sshrl.u32 s5, $0x2;
	v15 =	vld [tilespmem:s1+$0x1B200];
	v4 =	vadd.f32 v11, v4  }
0x182: {  	s1 =	sor.u32 s21, s18;
	v11 =	vld [tilespmem:s14+$0xC270];
	[tilespmem:s17+$0x10] =	vst v9;
	v7 =	vadd.f32 v12, v7  }
0x183: {  	v9 =	vld [tilespmem:s14+$0xC200];
	s18 =	sadd.s32 $0x1B200, s1;
	[tilespmem:s17+$0x20] =	vst v4;
	v4 =	vadd.f32 v13, v8  }
0x184: {  	v12 =	vld [tilespmem:s18+$0x70];
	[tilespmem:s17+$0x30] =	vst v7;
	v5 =	vadd.f32 v14, v5  }
0x185: {  	v13 =	vld [tilespmem:s14+$0xC210];
	[tilespmem:s17+$0x40] =	vst v4;
	v4 =	vadd.f32 v10, v6  }
0x186: {  	v14 =	vld [tilespmem:s14+$0xC220];
	v6 =	vadd.f32 v15, v3;
	[tilespmem:s17+$0x50] =	vst v5  }
.Ltmp5:
0x187: {  	s20 =	sand.u32 $0x3FFFF000, s20;
	v7 =	vld [tilespmem:s14+$0xC230];
	v10 =	vmul.f32 $3.200000000e+01, v11;
	[tilespmem:s17+$0x60] =	vst v4;
	(pc) =	sbr.rel @p1 .LBB2_9-.Ltmp5, $4  }
0x188: {  	s3 =	sand.u32 $0x180, s3;
	s5 =	sor.u32 s5, s20;
	v3 =	vmul.f32 $3.200000000e+01, v9;
	v8 =	vld [tilespmem:s14+$0xC240];
	[tilespmem:s0+$0x14200] =	vst v6  }
0x189: {  	s0 =	sor.u32 s3, s5;
	v5 =	vld [tilespmem:s14+$0xC250];
	v11 =	vadd.f32 v12, v10  }
0x18a: {  	s17 =	sadd.s32 $0x14200, s0;
	v9 =	vmul.f32 $3.200000000e+01, v13;
	v6 =	vld [tilespmem:s14+$0xC260]  }
0x18b: {  	v10 =	vld [tilespmem:s18+$0x10];
	v4 =	vmul.f32 $3.200000000e+01, v14;
	[tilespmem:s17+$0x70] =	vst v11  }
0x18c: {  	v11 =	vld [tilespmem:s18+$0x20]  }
0x18d: {  	v12 =	vld [tilespmem:s18+$0x30]  }
0x18e: {  	v13 =	vld [tilespmem:s18+$0x40]  }
0x18f: {  	v14 =	vld [tilespmem:s18+$0x50]  }
0x190: {  	v7 =	vmul.f32 $3.200000000e+01, v7;
	v61 =	vld [tilespmem:s18+$0x60];
	v9 =	vadd.f32 v10, v9  }
0x191: {  	v15 =	vld [tilespmem:s1+$0x1B200];
	v8 =	vmul.f32 $3.200000000e+01, v8;
	v4 =	vadd.f32 v11, v4  }
0x192: {  	v5 =	vmul.f32 $3.200000000e+01, v5;
	v7 =	vadd.f32 v12, v7;
	[tilespmem:s17+$0x10] =	vst v9  }
0x193: {  	v6 =	vmul.f32 $3.200000000e+01, v6;
	v62 =	vadd.f32 v13, v8;
	[tilespmem:s17+$0x20] =	vst v4  }
0x194: {  	v5 =	vadd.f32 v14, v5;
	[tilespmem:s17+$0x30] =	vst v7  }
.Ltmp6:
0x195: {  	v63 =	vadd.f32 v61, v6;
	[tilespmem:s17+$0x40] =	vst v62;
	(pc) =	sbr.rel @p0 .LBB2_12-.Ltmp6, $4  }
0x196: {  	v3 =	vadd.f32 v15, v3;
	[tilespmem:s17+$0x50] =	vst v5  }
0x197: {  	[tilespmem:s17+$0x60] =	vst v63  }
0x198: {  	s31 =	sadd.s32 $0x1800, s30;
	[tilespmem:s0+$0x14200] =	vst v3  }
0x199: {  	[hbm4b:s31+s4] =	stream.linear.scatter [tilespmem:s22], [sflag:$0xA], $0x4000, $0x38;
	[tilespmem:$0x1C200] =	vst v63  }
0x19a: {  	s0 =	sadd.s32 $0x7, s29  }
0x19b: {  	s1 =	sshll.u32 s0, $0x4  }
0x19c: {  	s1 =	sand.u32 $0x3FFFFFF0, s1  }
0x19d: {  	v3 =	vld [tilespmem:s1+$0x0];
	_ =	sdelay $0x4  }
0x19e: {  	v4 =	vshll.u32 v3, $0x3  }
0x19f: {  	v3 =	vand.u32 $0x7, v3;
	v4 =	vand.u32 $0xFFFFFFC0, v4  }
0x1a0: {  	v3 =	vor.u32 v3, v4  }
0x1a1: {  	v4 =	vperm.xlane v3, v0;
	_ =	sdelay $0x1  }
0x1a2: {  	v4 =	vadd.s32 v1, v4;
	_ =	sdelay $0x3  }
0x1a3: {  	s18 =	simm.s32 $0xC200  }
0x1a4: {  	[tilespmem:s18], [sflag:$0x4] =	stream.indirect_vreg.gather [hbm4b:s2+s4], $0x80, v4, vm0, $0xb8;
	[tilespmem:$0x1C200] =	vst v63  }
0x1a5: {  	s19 =	simm.s32 $0xCA00;
	v3 =	vperm.xlane v3, v2  }
0x1a6: {  	[tilespmem:s19], [sflag:$0x4] =	stream.indirect_vreg.gather [hbm4b:s7+s4], $0x80, v4, vm0, $0xb8;
	[tilespmem:$0x1C200] =	vst v63  }
0x1a7: {  	s20 =	simm.s32 $0xD200;
	v3 =	vadd.s32 v1, v3  }
0x1a8: {  	[tilespmem:s20], [sflag:$0x4] =	stream.indirect_vreg.gather [hbm4b:s8+s4], $0x80, v4, vm0, $0xb8;
	[tilespmem:$0x1C200] =	vst v63  }
0x1a9: {  	s21 =	simm.s32 $0xDA00  }
0x1aa: {  	[tilespmem:s21], [sflag:$0x4] =	stream.indirect_vreg.gather [hbm4b:s10+s4], $0x80, v4, vm0, $0xb8;
	[tilespmem:$0x1C200] =	vst v63  }
0x1ab: {  	s22 =	simm.s32 $0xE200  }
0x1ac: {  	[tilespmem:s22], [sflag:$0x4] =	stream.indirect_vreg.gather [hbm4b:s2+s4], $0x80, v3, vm0, $0xb8;
	[tilespmem:$0x1C200] =	vst v63  }
0x1ad: {  	s23 =	simm.s32 $0xEA00  }
0x1ae: {  	[tilespmem:s23], [sflag:$0x4] =	stream.indirect_vreg.gather [hbm4b:s7+s4], $0x80, v3, vm0, $0xb8;
	[tilespmem:$0x1C200] =	vst v63  }
0x1af: {  	s29 =	simm.s32 $0xF200  }
0x1b0: {  	[tilespmem:s29], [sflag:$0x4] =	stream.indirect_vreg.gather [hbm4b:s8+s4], $0x80, v3, vm0, $0xb8;
	[tilespmem:$0x1C200] =	vst v63  }
.Ltmp7:
0x1b1: {  	_ = 	snop;
	(pc) =	sbr.rel .LBB2_2-.Ltmp7, $4  }
0x1b2: {  	s30 =	simm.s32 $0xFA00;
	s0 =	sshll.u32 s0, $0x9  }
0x1b3: {  	[tilespmem:s30], [sflag:$0x4] =	stream.indirect_vreg.gather [hbm4b:s10+s4], $0x80, v3, vm0, $0xb8;
	[tilespmem:$0x1C200] =	vst v63  }
0x1b4: {  	s31 =	simm.s32 $0x1B200;
	s16 =	sadd.s32 $0x1, s16;
	s0 =	sadd.s32 s0, s9  }
0x1b5: {  	[tilespmem:s31], [sflag:$0x8] =	stream.linear.gather [hbm4b:s0+s4], $0x1000, $0x38;
	[tilespmem:$0x1C200] =	vst v63  }
.LBB2_13:
0x1b6: {  	_ =	sfence.sel $0x180000  }
0x1b7: {  	[bflag:$0x0] =	sbarrier.arrive $0xFFFF  }
0x1b8: {  	_ =	strace $0x90000047  }
0x1b9: {  	s0 =	stileid.u32;
	[bflag:$0x2] =	sbarrier.arrive $0xFFFF  }
0x1ba: {  	p0 =	sne.s32 s0, $0x0;
	s0 =	rddreg [dreg:$0x4]  }
0x1bb: {  	s0 =	sadd.s32 @!p0 $0x100000, s0  }
0x1bc: {  	[sflag:s0] =	ssyncadd.tile.s32 @!p0 $0x1;
	_ =	shalt  }
.Lfunc_end2:
_tile_overlayer_lowered:
.L_overlay_start_2:
0x1bd: {  	(tag) =	ssettag $0x2  }
0x1be: {  	s0 =	rddreg [dreg:$0x0];
	s2 =	stileid.u32  }
0x1bf: {  	s1 =	rddreg [dreg:$0x1];
	p0 =	sne.s32 s2, $0x0  }
0x1c0: {  	s3 =	rddreg [dreg:$0x2];
	[bflag:$0x3] =	sbarrier.arrive $0xFFFF;
	s2 =	simm.s32 @!p0 $0x1C0B  }
0x1c1: {  	[timem:s3], [sflag:s2] =	dma.local @!p0 [hbm:s0], s1  }
0x1c2: {  	s0 =	simm.s32 @!p0 $0xB  }
0x1c3: {  	_ =	swait.ge @!p0 [sflag:s0], s1  }
0x1c4: {  	s1 =	ssub.s32 @!p0 $0x0, s1;
	[sflag:s0] =	ssyncset.done @!p0 $0x0  }
0x1c5: {  	[sflag:s0] =	ssyncadd.s32 @!p0 s1  }
0x1c6: {  	[bflag:$0x3] =	sbarrier.arrive $0xFFFF  }
0x1c7: {  	_ =	shalt  }

</sc_bundles>
